<compile_context>
chip_gen: v7x
topology: tpu7x:2x2x1
jax: 0.10.2.dev20260603
libtpu: 0.0.44.dev20260713+nightly
codegen_flags: <defaults>
</compile_context>

<pallas_src>
import functools

import jax
import jax.numpy as jnp
from jax import lax
from jax.experimental import pallas as pl
from jax.experimental.pallas import tpu as pltpu
from jax.experimental.pallas import tpu_sc as plsc

N = 10000
D = 128
E = 160000
H1 = 128
H2 = 64
NEG = 10
NORM = 0.1
AUG_W = 1e-05
INS_W = 1e-05
NORM_LW = -0.1
TEMP = 0.07

NWORKERS = 32
CHUNK = 128
NCHUNK = 40
EDGE_PAD = NWORKERS * NCHUNK * CHUNK
NCHUNK_G = 25
NEG_PAD = NWORKERS * NCHUNK_G * CHUNK
RPAD = 10112
DUMP = N
ROWS_PER_TILE = RPAD // 16


@functools.cache
def _make_segsum():

    @functools.partial(
        pl.kernel,
        out_type=jax.ShapeDtypeStruct((2, RPAD, H1), jnp.float32),
        mesh=plsc.VectorSubcoreMesh(core_axis_name="c", subcore_axis_name="s"),
        scratch_types=[
            pltpu.VMEM_SHARED((RPAD, H1), jnp.float32),
            pltpu.VMEM((NCHUNK, CHUNK), jnp.int32),
            pltpu.VMEM((NCHUNK, CHUNK), jnp.int32),
            pltpu.VMEM((CHUNK, H1), jnp.float32),
            pltpu.VMEM((CHUNK, H1), jnp.float32),
            pltpu.SemaphoreType.DMA,
            pltpu.SemaphoreType.DMA,
        ],
    )
    def segsum(vals_hbm, src_hbm, dst_hbm, zeros_hbm, out_hbm,
               accum, src_all, dst_all, b0, b1, sem0, sem1):
        cid = lax.axis_index("c")
        sid = lax.axis_index("s")
        wid = sid * 2 + cid
        row0 = pl.multiple_of(sid * ROWS_PER_TILE, 8)
        pltpu.sync_copy(src_hbm.at[wid], src_all)
        pltpu.sync_copy(dst_hbm.at[wid], dst_all)
        pltpu.sync_copy(zeros_hbm.at[pl.ds(row0, ROWS_PER_TILE)],
                        accum.at[pl.ds(row0, ROWS_PER_TILE)])
        plsc.subcore_barrier()

        pltpu.async_copy(vals_hbm.at[src_all.at[0]], b0, sem0)
        pltpu.async_copy(vals_hbm.at[src_all.at[1]], b1, sem1)

        def body(jj, carry):
            j = jj * 2
            pltpu.make_async_copy(vals_hbm.at[src_all.at[0]], b0, sem0).wait()
            pltpu.sync_copy(b0, accum.at[dst_all.at[j]], add=True)

            @pl.when(j + 2 < NCHUNK)
            def _():
                pltpu.async_copy(vals_hbm.at[src_all.at[j + 2]], b0, sem0)

            pltpu.make_async_copy(vals_hbm.at[src_all.at[0]], b1, sem1).wait()
            pltpu.sync_copy(b1, accum.at[dst_all.at[j + 1]], add=True)

            @pl.when(j + 3 < NCHUNK)
            def _():
                pltpu.async_copy(vals_hbm.at[src_all.at[j + 3]], b1, sem1)

            return carry

        lax.fori_loop(0, NCHUNK // 2, body, 0)
        plsc.subcore_barrier()
        pltpu.sync_copy(accum.at[pl.ds(row0, ROWS_PER_TILE)],
                        out_hbm.at[cid, pl.ds(row0, ROWS_PER_TILE)])

    return segsum


@functools.cache
def _make_neg_gather():
    @functools.partial(
        pl.kernel,
        out_type=jax.ShapeDtypeStruct((NEG_PAD, H1), jnp.float32),
        mesh=plsc.VectorSubcoreMesh(core_axis_name="c", subcore_axis_name="s"),
        scratch_types=[
            pltpu.VMEM((NCHUNK_G, CHUNK), jnp.int32),
            pltpu.VMEM((CHUNK, H1), jnp.float32),
            pltpu.VMEM((CHUNK, H1), jnp.float32),
            pltpu.SemaphoreType.DMA,
            pltpu.SemaphoreType.DMA,
        ],
    )
    def neg_gather(h_hbm, idx_hbm, out_hbm, idx_all, b0, b1, sem0, sem1):
        cid = lax.axis_index("c")
        sid = lax.axis_index("s")
        wid = sid * 2 + cid
        ipw = NCHUNK_G * CHUNK

        pltpu.sync_copy(idx_hbm.at[wid], idx_all)
        pltpu.async_copy(h_hbm.at[idx_all.at[0]], b0, sem0)
        pltpu.async_copy(h_hbm.at[idx_all.at[1]], b1, sem1)

        def body(j, carry):
            base = wid * ipw + j * CHUNK
            even = lax.rem(j, 2) == 0

            @pl.when(even)
            def _():
                pltpu.make_async_copy(h_hbm.at[idx_all.at[0]], b0, sem0).wait()
                pltpu.sync_copy(b0, out_hbm.at[pl.ds(base, CHUNK)])

                @pl.when(j + 2 < NCHUNK_G)
                def _():
                    pltpu.async_copy(h_hbm.at[idx_all.at[j + 2]], b0, sem0)

            @pl.when(jnp.logical_not(even))
            def _():
                pltpu.make_async_copy(h_hbm.at[idx_all.at[0]], b1, sem1).wait()
                pltpu.sync_copy(b1, out_hbm.at[pl.ds(base, CHUNK)])

                @pl.when(j + 2 < NCHUNK_G)
                def _():
                    pltpu.async_copy(h_hbm.at[idx_all.at[j + 2]], b1, sem1)

            return carry

        lax.fori_loop(0, NCHUNK_G, body, 0)

    return neg_gather


def _k1_body(x_ref, w_ref, o_ref):
    o_ref[...] = jnp.dot(x_ref[...], w_ref[...],
                         preferred_element_type=jnp.float32)


def _k2_body(p0_ref, p1_ref, o_ref):
    o_ref[...] = jnp.maximum(p0_ref[0] + p1_ref[0], 0.0)


def _k3_body(q0_ref, q1_ref, w_ref, gdir_ref, std_ref,
             h_ref, aug_ref, h128_ref, ssum_ref):
    agg = q0_ref[0] + q1_ref[0]
    h = jnp.maximum(jnp.dot(agg, w_ref[...],
                            preferred_element_type=jnp.float32), 0.0)
    g = gdir_ref[...]
    nrm = jnp.sqrt(jnp.sum(g * g, axis=1, keepdims=True))
    nrm = jnp.where(nrm == 0.0, 1.0, nrm)
    h_ref[...] = h
    aug_ref[...] = h + (g / nrm) * std_ref[...]
    h128_ref[...] = jnp.concatenate(
        [h, jnp.zeros((N, H1 - H2), jnp.float32)], axis=1)
    ssum_ref[0, 0] = jnp.sum(std_ref[...])


def _softplus(x):
    return jnp.maximum(x, 0.0) + jnp.log1p(jnp.exp(-jnp.abs(x)))


def _k4_body(hi_ref, ai_ref, hj_ref, acc_ref):
    i = pl.program_id(0)
    j = pl.program_id(1)

    @pl.when((i == 0) & (j == 0))
    def _():
        acc_ref[...] = jnp.zeros_like(acc_ref)

    hi = hi_ref[...]
    ai = ai_ref[...]
    hj = hj_ref[...]
    dn = (((1,), (1,)), ((), ()))
    rec1 = lax.dot_general(hi, hj, dn, preferred_element_type=jnp.float32)
    p1 = jnp.sum(_softplus(rec1))
    rec2 = lax.dot_general(ai, hj, dn, preferred_element_type=jnp.float32)
    p2 = jnp.sum(_softplus(rec2))

    r = lax.broadcasted_iota(jnp.int32, (8, 128), 0)
    c = lax.broadcasted_iota(jnp.int32, (8, 128), 1)
    upd = jnp.where((r == 0) & (c == 0), p1, 0.0)
    upd += jnp.where((r == 0) & (c == 1), p2, 0.0)
    acc_ref[...] += upd


def _k5_body(h_ref, a_ref, t0_ref, t1_ref, negrow_ref, acc_ref):
    i = pl.program_id(0)
    n = pl.program_id(1)

    @pl.when((i == 0) & (n == 0))
    def _():
        acc_ref[...] = jnp.zeros_like(acc_ref)

    h = h_ref[...]
    a = a_ref[...]
    neg = jnp.sum(a * negrow_ref[...][:, :H2], axis=1, keepdims=True) / TEMP
    ins = jnp.sum(_softplus(neg))

    first = (n == 0).astype(jnp.float32)
    t = (t0_ref[0] + t1_ref[0])[:, :H2]
    s1 = jnp.sum(h * t) * first
    s2 = jnp.sum(a * t) * first
    pos = jnp.sum(a * h, axis=1, keepdims=True) / TEMP
    ins += jnp.sum(_softplus(pos) - pos) * first

    r = lax.broadcasted_iota(jnp.int32, (8, 128), 0)
    c = lax.broadcasted_iota(jnp.int32, (8, 128), 1)
    upd = jnp.where((r == 0) & (c == 2), s1, 0.0)
    upd += jnp.where((r == 0) & (c == 3), s2, 0.0)
    upd += jnp.where((r == 0) & (c == 4), ins, 0.0)
    acc_ref[...] += upd


def kernel(x, edge_index, adj_orig_index, gradint_dir, std, neg_idx, W1, W2):
    f32 = jnp.float32
    i32 = jnp.int32
    epad = EDGE_PAD - E
    zpad = jnp.zeros((epad,), i32)
    dpad = jnp.full((epad,), DUMP, i32)
    e3 = (NWORKERS, NCHUNK, CHUNK)
    src = jnp.concatenate([edge_index[0], zpad]).reshape(e3)
    dst = jnp.concatenate([edge_index[1], dpad]).reshape(e3)
    adj_s = jnp.concatenate([adj_orig_index[1], zpad]).reshape(e3)
    adj_d = jnp.concatenate([adj_orig_index[0], dpad]).reshape(e3)
    neg_flat = jnp.concatenate(
        [neg_idx.T.reshape(-1), jnp.zeros((NEG_PAD - N * NEG,), i32)]
    ).reshape(NWORKERS, NCHUNK_G, CHUNK)
    zeros_wide = jnp.zeros((RPAD, H1), f32)

    xw1 = pl.pallas_call(
        _k1_body,
        out_shape=jax.ShapeDtypeStruct((N, H1), f32),
    )(x, W1)

    segsum = _make_segsum()

    p = segsum(xw1, src, dst, zeros_wide)
    h1 = pl.pallas_call(
        _k2_body,
        grid=(1,),
        in_specs=[
            pl.BlockSpec((1, N, H1), lambda i: (0, 0, 0)),
            pl.BlockSpec((1, N, H1), lambda i: (1, 0, 0)),
        ],
        out_specs=pl.BlockSpec((N, H1), lambda i: (0, 0)),
        out_shape=jax.ShapeDtypeStruct((N, H1), f32),
    )(p, p)

    q = segsum(h1, src, dst, zeros_wide)
    h, aug_h, h128, ssum = pl.pallas_call(
        _k3_body,
        grid=(1,),
        in_specs=[
            pl.BlockSpec((1, N, H1), lambda i: (0, 0, 0)),
            pl.BlockSpec((1, N, H1), lambda i: (1, 0, 0)),
            pl.BlockSpec((H1, H2), lambda i: (0, 0)),
            pl.BlockSpec((N, H2), lambda i: (0, 0)),
            pl.BlockSpec((N, H2), lambda i: (0, 0)),
        ],
        out_shape=[
            jax.ShapeDtypeStruct((N, H2), f32),
            jax.ShapeDtypeStruct((N, H2), f32),
            jax.ShapeDtypeStruct((N, H1), f32),
            jax.ShapeDtypeStruct((1, 1), f32),
        ],
        out_specs=[
            pl.BlockSpec((N, H2), lambda i: (0, 0)),
            pl.BlockSpec((N, H2), lambda i: (0, 0)),
            pl.BlockSpec((N, H1), lambda i: (0, 0)),
            pl.BlockSpec((1, 1), lambda i: (0, 0),
                         memory_space=pltpu.SMEM),
        ],
    )(q, q, W2, gradint_dir, std)

    t = segsum(h128, adj_s, adj_d, zeros_wide)
    neg_rows = _make_neg_gather()(h128, neg_flat)

    bi = 1000
    acc = pl.pallas_call(
        _k4_body,
        grid=(N // bi, N // bi),
        in_specs=[
            pl.BlockSpec((bi, H2), lambda i, j: (i, 0)),
            pl.BlockSpec((bi, H2), lambda i, j: (i, 0)),
            pl.BlockSpec((bi, H2), lambda i, j: (j, 0)),
        ],
        out_specs=pl.BlockSpec((8, 128), lambda i, j: (0, 0)),
        out_shape=jax.ShapeDtypeStruct((8, 128), f32),
    )(h, aug_h, h)

    nb = N // bi
    acc2 = pl.pallas_call(
        _k5_body,
        grid=(nb, NEG),
        in_specs=[
            pl.BlockSpec((bi, H2), lambda i, n: (i, 0)),
            pl.BlockSpec((bi, H2), lambda i, n: (i, 0)),
            pl.BlockSpec((1, bi, H1), lambda i, n: (0, i, 0)),
            pl.BlockSpec((1, bi, H1), lambda i, n: (1, i, 0)),
            pl.BlockSpec((bi, H1), lambda i, n: (n * (N // 1000) + i, 0)),
        ],
        out_specs=pl.BlockSpec((8, 128), lambda i, n: (0, 0)),
        out_shape=jax.ShapeDtypeStruct((8, 128), f32),
    )(h, aug_h, t, t, neg_rows)

    p1 = acc[0, 0]
    p2 = acc[0, 1]
    s1 = acc2[0, 2]
    s2 = acc2[0, 3]
    ins = acc2[0, 4]

    nn = float(N) * float(N)
    gae_loss = NORM * (p1 - s1) / nn
    aug_gae_loss = NORM * (p2 - s2) / nn * AUG_W
    instance_loss = ins / N * INS_W
    hinge_loss = jnp.float32(0.0)
    norm_loss = (1.0 - ssum[0, 0] / (N * H2)) * NORM_LW
    total = gae_loss + aug_gae_loss + instance_loss + hinge_loss + norm_loss
    return (total, gae_loss, aug_gae_loss, instance_loss, hinge_loss,
            norm_loss, h, aug_h)

# --- scband reference (transcript-rebuilt; emitter-appended) ---
"""Pipeline reference for scband-hyper-r-79190607004100 (READ-ONLY COPY).

The authoritative reference and input builder live on the scoring server;
editing this copy changes nothing except your own understanding.
"""

import jax, jax.numpy as jnp
import numpy as np

N = 10000
D = 128
E = 160000
H1 = 128
H2 = 64
NEG = 10
NORM = 0.1
POS_W = 1.0
AUG_W = 1e-05
INS_W = 1e-05
HINGE_W = 0.0
NORM_LW = -0.1
TEMP = 0.07


def setup_inputs(seed: int = 0) -> dict:
    key = jax.random.key(seed)
    ks = jax.random.split(key, 8)
    x = jax.random.normal(ks[0], (N, D), dtype=jnp.float32)
    edge_index = jax.random.randint(ks[1], (2, E), 0, N, dtype=jnp.int32)
    adj_orig_index = jax.random.randint(ks[2], (2, E), 0, N, dtype=jnp.int32)
    gradint_dir = jax.random.normal(ks[3], (N, H2), dtype=jnp.float32)
    std = jax.random.uniform(ks[4], (N, H2), dtype=jnp.float32)
    neg_idx = jax.random.randint(ks[5], (N, NEG), 0, N, dtype=jnp.int32)
    W1 = jax.random.normal(ks[6], (D, H1), dtype=jnp.float32) * (1.0 / np.sqrt(D))
    W2 = jax.random.normal(ks[7], (H1, H2), dtype=jnp.float32) * (1.0 / np.sqrt(H1))
    return {"x": x, "edge_index": edge_index, "adj_orig_index": adj_orig_index,
            "gradint_dir": gradint_dir, "std": std, "neg_idx": neg_idx,
            "W1": W1, "W2": W2}


def _gcn_layer(x, src, dst, W):
    xw = x @ W
    agg = jax.ops.segment_sum(xw[src], dst, num_segments=N)
    return jax.nn.relu(agg)


def _weighted_ce(logits, labels, pos_weight):
    # tf.nn.weighted_cross_entropy_with_logits
    log_weight = 1.0 + (pos_weight - 1.0) * labels
    return (1.0 - labels) * logits + log_weight * (
        jnp.log1p(jnp.exp(-jnp.abs(logits))) + jnp.maximum(-logits, 0.0))


def _sigmoid_ce(logits, labels):
    # tf.nn.sigmoid_cross_entropy_with_logits
    return jnp.maximum(logits, 0.0) - logits * labels + jnp.log1p(jnp.exp(-jnp.abs(logits)))


def _gae_loss(h, cont_h, labels_dense):
    rec = (h @ cont_h.T).reshape(-1)
    lab = labels_dense.reshape(-1)
    return NORM * jnp.mean(_weighted_ce(rec, lab, POS_W))


def reference(x, edge_index, adj_orig_index, gradint_dir, std, neg_idx, W1, W2):
    # keras.utils.normalize (l2, axis=-1), zeros mapped to norm 1
    nrm = jnp.linalg.norm(gradint_dir, axis=-1, keepdims=True)
    nrm = jnp.where(nrm == 0.0, 1.0, nrm)
    gd = gradint_dir / nrm

    src, dst = edge_index[0], edge_index[1]
    h = _gcn_layer(x, src, dst, W1)
    h = _gcn_layer(h, src, dst, W2)

    labels_dense = jnp.zeros((N, N), dtype=jnp.float32).at[
        adj_orig_index[0], adj_orig_index[1]].set(1.0)

    gae_loss = _gae_loss(h, h, labels_dense)

    gd = gd * std
    aug_h = h + gd
    aug_gae_loss = _gae_loss(aug_h, h, labels_dense) * AUG_W

    neg_h = h[neg_idx]  # [N, NEG, H2] gather

    # instance_classify_loss_sig_fn
    pos = (jnp.sum(aug_h * h, axis=1) / TEMP)[:, None]
    aug_t = jnp.broadcast_to(aug_h[:, None, :], (N, NEG, H2))
    neg = jnp.sum(aug_t * neg_h, axis=2) / TEMP
    logits = jnp.concatenate([pos, neg], axis=1)
    labels = jnp.concatenate([jnp.ones((N, 1), jnp.float32),
                              jnp.zeros((N, NEG), jnp.float32)], axis=1)
    instance_loss = jnp.mean(jnp.sum(_sigmoid_ce(logits, labels), axis=1)) * INS_W

    # instance_hinge_loss_fn
    pos_h = jnp.sum(aug_h * h, axis=1)[:, None]
    neg_hh = jnp.sum(aug_t * neg_h, axis=2)
    hinge_loss = jnp.mean(jnp.sum(jnp.maximum(0.0, neg_hh - pos_h), axis=-1)) * HINGE_W

    norm_loss = jnp.mean(1.0 - std) * NORM_LW

    total = gae_loss + aug_gae_loss + instance_loss + hinge_loss + norm_loss
    return (total, gae_loss, aug_gae_loss, instance_loss, hinge_loss, norm_loss, h, aug_h)

if __name__ == "__main__":
    import jax
    _d = setup_inputs()
    print(jax.jit(kernel)(*tuple(_d.values())))

</pallas_src>

<mosaic_0001>
#map = affine_map<(d0, d1) -> (0, 0)>
#map1 = affine_map<(d0, d1) -> (0, 0, 0)>
module attributes {stable_mosaic.version = 14 : i64} {
  func.func @segsum(%arg0: i32, %arg1: i32, %arg2: memref<10000x128xf32, #tpu.memory_space<hbm>>, %arg3: memref<32x40x128xi32, #tpu.memory_space<hbm>>, %arg4: memref<32x40x128xi32, #tpu.memory_space<hbm>>, %arg5: memref<10112x128xf32, #tpu.memory_space<hbm>>, %arg6: memref<2x10112x128xf32, #tpu.memory_space<hbm>>, %arg7: memref<10112x128xf32, #tpu.memory_space<vmem_shared>>, %arg8: memref<40x128xi32, #tpu.memory_space<vmem>>, %arg9: memref<40x128xi32, #tpu.memory_space<vmem>>, %arg10: memref<128x128xf32, #tpu.memory_space<vmem>>, %arg11: memref<128x128xf32, #tpu.memory_space<vmem>>, %arg12: memref<!tpu.dma_semaphore, #tpu.memory_space<semaphore_mem>>, %arg13: memref<!tpu.dma_semaphore, #tpu.memory_space<semaphore_mem>>) attributes {dimension_semantics = [#tpu.dimension_semantics<core_parallel>, #tpu.dimension_semantics<subcore_parallel>], iteration_bounds = array<i64: 2, 16>, scalar_prefetch = 0 : i64, scratch_operands = 7 : i64, tpu.core_type = #tpu.core_type<sc_vector_subcore>, window_params = [{transform_indices = #map}, {transform_indices = #map1}, {transform_indices = #map1}, {transform_indices = #map}, {transform_indices = #map1}]} {
    %mul3A = arith.constant 2 : i32
    %mul3A_0 = arith.muli %arg1, %mul3A : i32
    %add3A = arith.addi %mul3A_0, %arg0 : i32
    %mul3A_1 = arith.constant 632 : i32
    %mul3A_2 = arith.muli %arg1, %mul3A_1 : i32
    %multiple_of3A = tpu.assume_multiple %mul3A_2, 8 : i32
    "tpu.region"() ({
      %run_scoped3A = tpu.sem_alloc : memref<!tpu.dma_semaphore, #tpu.memory_space<semaphore_mem>>
      %dma_start3A_22 = arith.constant 0 : i32
      %dma_start3A_23 = arith.constant 0 : i32
      %dma_start3A_24 = tpu.memref_slice %arg3[%add3A, %dma_start3A_22, %dma_start3A_23] : memref<32x40x128xi32, #tpu.memory_space<hbm>> -> memref<1x40x128xi32, #tpu.memory_space<hbm>>
      %dma_start3A_25 = tpu.memref_squeeze %dma_start3A_24 : memref<1x40x128xi32, #tpu.memory_space<hbm>> -> memref<40x128xi32, #tpu.memory_space<hbm>>
      %dma_start3A_26 = arith.constant 0 : i32
      %dma_start3A_27 = arith.constant 0 : i32
      %dma_start3A_28 = tpu.memref_slice %arg3[%add3A, %dma_start3A_26, %dma_start3A_27] : memref<32x40x128xi32, #tpu.memory_space<hbm>> -> memref<1x40x128xi32, #tpu.memory_space<hbm>>
      %dma_start3A_29 = tpu.memref_squeeze %dma_start3A_28 : memref<1x40x128xi32, #tpu.memory_space<hbm>> -> memref<40x128xi32, #tpu.memory_space<hbm>>
      tpu.enqueue_dma source(%dma_start3A_29 : memref<40x128xi32, #tpu.memory_space<hbm>>) target(%arg8 : memref<40x128xi32, #tpu.memory_space<vmem>>) target_semaphore(%run_scoped3A : memref<!tpu.dma_semaphore, #tpu.memory_space<semaphore_mem>>)
      %dma_wait3A = arith.constant 0 : i32
      %dma_wait3A_30 = arith.constant 0 : i32
      %dma_wait3A_31 = tpu.memref_slice %arg3[%add3A, %dma_wait3A, %dma_wait3A_30] : memref<32x40x128xi32, #tpu.memory_space<hbm>> -> memref<1x40x128xi32, #tpu.memory_space<hbm>>
      %dma_wait3A_32 = tpu.memref_squeeze %dma_wait3A_31 : memref<1x40x128xi32, #tpu.memory_space<hbm>> -> memref<40x128xi32, #tpu.memory_space<hbm>>
      %dma_wait3A_33 = arith.constant 0 : i32
      %dma_wait3A_34 = arith.constant 0 : i32
      %dma_wait3A_35 = tpu.memref_slice %arg3[%add3A, %dma_wait3A_33, %dma_wait3A_34] : memref<32x40x128xi32, #tpu.memory_space<hbm>> -> memref<1x40x128xi32, #tpu.memory_space<hbm>>
      %dma_wait3A_36 = tpu.memref_squeeze %dma_wait3A_35 : memref<1x40x128xi32, #tpu.memory_space<hbm>> -> memref<40x128xi32, #tpu.memory_space<hbm>>
      tpu.wait_dma2 semaphore(%run_scoped3A : memref<!tpu.dma_semaphore, #tpu.memory_space<semaphore_mem>>) src(%dma_wait3A_36 : memref<40x128xi32, #tpu.memory_space<hbm>>) dst(%arg8 : memref<40x128xi32, #tpu.memory_space<vmem>>)
      tpu.yield
    }) : () -> ()
    "tpu.region"() ({
      %run_scoped3A = tpu.sem_alloc : memref<!tpu.dma_semaphore, #tpu.memory_space<semaphore_mem>>
      %dma_start3A_22 = arith.constant 0 : i32
      %dma_start3A_23 = arith.constant 0 : i32
      %dma_start3A_24 = tpu.memref_slice %arg4[%add3A, %dma_start3A_22, %dma_start3A_23] : memref<32x40x128xi32, #tpu.memory_space<hbm>> -> memref<1x40x128xi32, #tpu.memory_space<hbm>>
      %dma_start3A_25 = tpu.memref_squeeze %dma_start3A_24 : memref<1x40x128xi32, #tpu.memory_space<hbm>> -> memref<40x128xi32, #tpu.memory_space<hbm>>
      %dma_start3A_26 = arith.constant 0 : i32
      %dma_start3A_27 = arith.constant 0 : i32
      %dma_start3A_28 = tpu.memref_slice %arg4[%add3A, %dma_start3A_26, %dma_start3A_27] : memref<32x40x128xi32, #tpu.memory_space<hbm>> -> memref<1x40x128xi32, #tpu.memory_space<hbm>>
      %dma_start3A_29 = tpu.memref_squeeze %dma_start3A_28 : memref<1x40x128xi32, #tpu.memory_space<hbm>> -> memref<40x128xi32, #tpu.memory_space<hbm>>
      tpu.enqueue_dma source(%dma_start3A_29 : memref<40x128xi32, #tpu.memory_space<hbm>>) target(%arg9 : memref<40x128xi32, #tpu.memory_space<vmem>>) target_semaphore(%run_scoped3A : memref<!tpu.dma_semaphore, #tpu.memory_space<semaphore_mem>>)
      %dma_wait3A = arith.constant 0 : i32
      %dma_wait3A_30 = arith.constant 0 : i32
      %dma_wait3A_31 = tpu.memref_slice %arg4[%add3A, %dma_wait3A, %dma_wait3A_30] : memref<32x40x128xi32, #tpu.memory_space<hbm>> -> memref<1x40x128xi32, #tpu.memory_space<hbm>>
      %dma_wait3A_32 = tpu.memref_squeeze %dma_wait3A_31 : memref<1x40x128xi32, #tpu.memory_space<hbm>> -> memref<40x128xi32, #tpu.memory_space<hbm>>
      %dma_wait3A_33 = arith.constant 0 : i32
      %dma_wait3A_34 = arith.constant 0 : i32
      %dma_wait3A_35 = tpu.memref_slice %arg4[%add3A, %dma_wait3A_33, %dma_wait3A_34] : memref<32x40x128xi32, #tpu.memory_space<hbm>> -> memref<1x40x128xi32, #tpu.memory_space<hbm>>
      %dma_wait3A_36 = tpu.memref_squeeze %dma_wait3A_35 : memref<1x40x128xi32, #tpu.memory_space<hbm>> -> memref<40x128xi32, #tpu.memory_space<hbm>>
      tpu.wait_dma2 semaphore(%run_scoped3A : memref<!tpu.dma_semaphore, #tpu.memory_space<semaphore_mem>>) src(%dma_wait3A_36 : memref<40x128xi32, #tpu.memory_space<hbm>>) dst(%arg9 : memref<40x128xi32, #tpu.memory_space<vmem>>)
      tpu.yield
    }) : () -> ()
    "tpu.region"() ({
      %run_scoped3A = tpu.sem_alloc : memref<!tpu.dma_semaphore, #tpu.memory_space<semaphore_mem>>
      %dma_start3A_22 = arith.constant 0 : i32
      %dma_start3A_23 = tpu.memref_slice %arg7[%multiple_of3A, %dma_start3A_22] : memref<10112x128xf32, #tpu.memory_space<vmem_shared>> -> memref<632x128xf32, #tpu.memory_space<vmem_shared>>
      %dma_start3A_24 = arith.constant 0 : i32
      %dma_start3A_25 = tpu.memref_slice %arg5[%multiple_of3A, %dma_start3A_24] : memref<10112x128xf32, #tpu.memory_space<hbm>> -> memref<632x128xf32, #tpu.memory_space<hbm>>
      tpu.enqueue_dma source(%dma_start3A_25 : memref<632x128xf32, #tpu.memory_space<hbm>>) target(%dma_start3A_23 : memref<632x128xf32, #tpu.memory_space<vmem_shared>>) target_semaphore(%run_scoped3A : memref<!tpu.dma_semaphore, #tpu.memory_space<semaphore_mem>>)
      %dma_wait3A = arith.constant 0 : i32
      %dma_wait3A_26 = tpu.memref_slice %arg7[%multiple_of3A, %dma_wait3A] : memref<10112x128xf32, #tpu.memory_space<vmem_shared>> -> memref<632x128xf32, #tpu.memory_space<vmem_shared>>
      %dma_wait3A_27 = arith.constant 0 : i32
      %dma_wait3A_28 = tpu.memref_slice %arg5[%multiple_of3A, %dma_wait3A_27] : memref<10112x128xf32, #tpu.memory_space<hbm>> -> memref<632x128xf32, #tpu.memory_space<hbm>>
      tpu.wait_dma2 semaphore(%run_scoped3A : memref<!tpu.dma_semaphore, #tpu.memory_space<semaphore_mem>>) src(%dma_wait3A_28 : memref<632x128xf32, #tpu.memory_space<hbm>>) dst(%dma_wait3A_26 : memref<632x128xf32, #tpu.memory_space<vmem_shared>>)
      tpu.yield
    }) : () -> ()
    %barrier3A = arith.constant 0 : index
    tpu.barrier barrier_id(%barrier3A)
    %dma_start3A = arith.constant 0 : i32
    %dma_start3A_3 = arith.constant 0 : i32
    %dma_start3A_4 = tpu.memref_slice %arg8[%dma_start3A, %dma_start3A_3] : memref<40x128xi32, #tpu.memory_space<vmem>> -> memref<1x128xi32, #tpu.memory_space<vmem>>
    %dma_start3A_5 = tpu.memref_squeeze %dma_start3A_4 : memref<1x128xi32, #tpu.memory_space<vmem>> -> memref<128xi32, #tpu.memory_space<vmem>>
    %dma_start3A_6 = arith.constant 0 : i32
    %dma_start3A_7 = arith.constant 0 : i32
    %dma_start3A_8 = tpu.memref_slice %arg2[%dma_start3A_6, %dma_start3A_7] : memref<10000x128xf32, #tpu.memory_space<hbm>> -> memref<10000x128xf32, #tpu.memory_space<hbm>>
    tpu.enqueue_indirect_dma source(%dma_start3A_8 : memref<10000x128xf32, #tpu.memory_space<hbm>>) target(%arg10 : memref<128x128xf32, #tpu.memory_space<vmem>>) offsets(%dma_start3A_5 : memref<128xi32, #tpu.memory_space<vmem>>) semaphore(%arg12 : memref<!tpu.dma_semaphore, #tpu.memory_space<semaphore_mem>>)
    %dma_start3A_9 = arith.constant 1 : i32
    %dma_start3A_10 = arith.constant 0 : i32
    %dma_start3A_11 = tpu.memref_slice %arg8[%dma_start3A_9, %dma_start3A_10] : memref<40x128xi32, #tpu.memory_space<vmem>> -> memref<1x128xi32, #tpu.memory_space<vmem>>
    %dma_start3A_12 = tpu.memref_squeeze %dma_start3A_11 : memref<1x128xi32, #tpu.memory_space<vmem>> -> memref<128xi32, #tpu.memory_space<vmem>>
    %dma_start3A_13 = arith.constant 0 : i32
    %dma_start3A_14 = arith.constant 0 : i32
    %dma_start3A_15 = tpu.memref_slice %arg2[%dma_start3A_13, %dma_start3A_14] : memref<10000x128xf32, #tpu.memory_space<hbm>> -> memref<10000x128xf32, #tpu.memory_space<hbm>>
    tpu.enqueue_indirect_dma source(%dma_start3A_15 : memref<10000x128xf32, #tpu.memory_space<hbm>>) target(%arg11 : memref<128x128xf32, #tpu.memory_space<vmem>>) offsets(%dma_start3A_12 : memref<128xi32, #tpu.memory_space<vmem>>) semaphore(%arg13 : memref<!tpu.dma_semaphore, #tpu.memory_space<semaphore_mem>>)
    %scan3A = arith.constant 0 : i32
    %scan3A_16 = arith.constant 0 : i32
    %scan3A_17 = arith.constant 20 : i32
    %scan3A_18 = arith.addi %scan3A_16, %scan3A_17 : i32
    %scan3A_19 = arith.constant 1 : i32
    scf.for %scan3A_22 = %scan3A_16 to %scan3A_18 step %scan3A_19  : i32 {
      %mul3A_23 = arith.constant 2 : i32
      %mul3A_24 = arith.muli %scan3A_22, %mul3A_23 : i32
      %dma_wait3A = arith.constant 0 : i32
      %dma_wait3A_25 = arith.constant 0 : i32
      %dma_wait3A_26 = tpu.memref_slice %arg8[%dma_wait3A, %dma_wait3A_25] : memref<40x128xi32, #tpu.memory_space<vmem>> -> memref<1x128xi32, #tpu.memory_space<vmem>>
      %dma_wait3A_27 = tpu.memref_squeeze %dma_wait3A_26 : memref<1x128xi32, #tpu.memory_space<vmem>> -> memref<128xi32, #tpu.memory_space<vmem>>
      %dma_wait3A_28 = arith.constant 0 : i32
      %dma_wait3A_29 = arith.constant 0 : i32
      %dma_wait3A_30 = tpu.memref_slice %arg2[%dma_wait3A_28, %dma_wait3A_29] : memref<10000x128xf32, #tpu.memory_space<hbm>> -> memref<10000x128xf32, #tpu.memory_space<hbm>>
      tpu.wait_indirect_dma semaphore(%arg12 : memref<!tpu.dma_semaphore, #tpu.memory_space<semaphore_mem>>) src(%dma_wait3A_30 : memref<10000x128xf32, #tpu.memory_space<hbm>>) dst(%arg10 : memref<128x128xf32, #tpu.memory_space<vmem>>)
      "tpu.region"() ({
        %run_scoped3A = tpu.sem_alloc : memref<!tpu.dma_semaphore, #tpu.memory_space<semaphore_mem>>
        %dma_start3A_51 = arith.constant 0 : i32
        %dma_start3A_52 = tpu.memref_slice %arg9[%mul3A_24, %dma_start3A_51] : memref<40x128xi32, #tpu.memory_space<vmem>> -> memref<1x128xi32, #tpu.memory_space<vmem>>
        %dma_start3A_53 = tpu.memref_squeeze %dma_start3A_52 : memref<1x128xi32, #tpu.memory_space<vmem>> -> memref<128xi32, #tpu.memory_space<vmem>>
        %dma_start3A_54 = arith.constant 0 : i32
        %dma_start3A_55 = arith.constant 0 : i32
        %dma_start3A_56 = tpu.memref_slice %arg7[%dma_start3A_54, %dma_start3A_55] : memref<10112x128xf32, #tpu.memory_space<vmem_shared>> -> memref<10112x128xf32, #tpu.memory_space<vmem_shared>>
        tpu.enqueue_indirect_dma source(%arg10 : memref<128x128xf32, #tpu.memory_space<vmem>>) target(%dma_start3A_56 : memref<10112x128xf32, #tpu.memory_space<vmem_shared>>) offsets(%dma_start3A_53 : memref<128xi32, #tpu.memory_space<vmem>>) semaphore(%run_scoped3A : memref<!tpu.dma_semaphore, #tpu.memory_space<semaphore_mem>>) {add = true}
        %dma_wait3A_57 = arith.constant 0 : i32
        %dma_wait3A_58 = tpu.memref_slice %arg9[%mul3A_24, %dma_wait3A_57] : memref<40x128xi32, #tpu.memory_space<vmem>> -> memref<1x128xi32, #tpu.memory_space<vmem>>
        %dma_wait3A_59 = tpu.memref_squeeze %dma_wait3A_58 : memref<1x128xi32, #tpu.memory_space<vmem>> -> memref<128xi32, #tpu.memory_space<vmem>>
        %dma_wait3A_60 = arith.constant 0 : i32
        %dma_wait3A_61 = arith.constant 0 : i32
        %dma_wait3A_62 = tpu.memref_slice %arg7[%dma_wait3A_60, %dma_wait3A_61] : memref<10112x128xf32, #tpu.memory_space<vmem_shared>> -> memref<10112x128xf32, #tpu.memory_space<vmem_shared>>
        tpu.wait_indirect_dma semaphore(%run_scoped3A : memref<!tpu.dma_semaphore, #tpu.memory_space<semaphore_mem>>) src(%arg10 : memref<128x128xf32, #tpu.memory_space<vmem>>) dst(%dma_wait3A_62 : memref<10112x128xf32, #tpu.memory_space<vmem_shared>>)
        tpu.yield
      }) : () -> ()
      %add3A_31 = arith.constant 2 : i32
      %add3A_32 = arith.addi %mul3A_24, %add3A_31 : i32
      %lt3A = arith.constant 40 : i32
      %lt3A_33 = arith.cmpi slt, %add3A_32, %lt3A : i32
      %convert_element_type3A = arith.extui %lt3A_33 : i1 to i32
      %cond3A = arith.constant 0 : i32
      %cond3A_34 = arith.cmpi ne, %convert_element_type3A, %cond3A : i32
      scf.if %cond3A_34 {
        %add3A_51 = arith.constant 2 : i32
        %add3A_52 = arith.addi %mul3A_24, %add3A_51 : i32
        %dma_start3A_53 = arith.constant 0 : i32
        %dma_start3A_54 = tpu.memref_slice %arg8[%add3A_52, %dma_start3A_53] : memref<40x128xi32, #tpu.memory_space<vmem>> -> memref<1x128xi32, #tpu.memory_space<vmem>>
        %dma_start3A_55 = tpu.memref_squeeze %dma_start3A_54 : memref<1x128xi32, #tpu.memory_space<vmem>> -> memref<128xi32, #tpu.memory_space<vmem>>
        %dma_start3A_56 = arith.constant 0 : i32
        %dma_start3A_57 = arith.constant 0 : i32
        %dma_start3A_58 = tpu.memref_slice %arg2[%dma_start3A_56, %dma_start3A_57] : memref<10000x128xf32, #tpu.memory_space<hbm>> -> memref<10000x128xf32, #tpu.memory_space<hbm>>
        tpu.enqueue_indirect_dma source(%dma_start3A_58 : memref<10000x128xf32, #tpu.memory_space<hbm>>) target(%arg10 : memref<128x128xf32, #tpu.memory_space<vmem>>) offsets(%dma_start3A_55 : memref<128xi32, #tpu.memory_space<vmem>>) semaphore(%arg12 : memref<!tpu.dma_semaphore, #tpu.memory_space<semaphore_mem>>)
      } else {
      }
      %dma_wait3A_35 = arith.constant 0 : i32
      %dma_wait3A_36 = arith.constant 0 : i32
      %dma_wait3A_37 = tpu.memref_slice %arg8[%dma_wait3A_35, %dma_wait3A_36] : memref<40x128xi32, #tpu.memory_space<vmem>> -> memref<1x128xi32, #tpu.memory_space<vmem>>
      %dma_wait3A_38 = tpu.memref_squeeze %dma_wait3A_37 : memref<1x128xi32, #tpu.memory_space<vmem>> -> memref<128xi32, #tpu.memory_space<vmem>>
      %dma_wait3A_39 = arith.constant 0 : i32
      %dma_wait3A_40 = arith.constant 0 : i32
      %dma_wait3A_41 = tpu.memref_slice %arg2[%dma_wait3A_39, %dma_wait3A_40] : memref<10000x128xf32, #tpu.memory_space<hbm>> -> memref<10000x128xf32, #tpu.memory_space<hbm>>
      tpu.wait_indirect_dma semaphore(%arg13 : memref<!tpu.dma_semaphore, #tpu.memory_space<semaphore_mem>>) src(%dma_wait3A_41 : memref<10000x128xf32, #tpu.memory_space<hbm>>) dst(%arg11 : memref<128x128xf32, #tpu.memory_space<vmem>>)
      %add3A_42 = arith.constant 1 : i32
      %add3A_43 = arith.addi %mul3A_24, %add3A_42 : i32
      "tpu.region"() ({
        %run_scoped3A = tpu.sem_alloc : memref<!tpu.dma_semaphore, #tpu.memory_space<semaphore_mem>>
        %dma_start3A_51 = arith.constant 0 : i32
        %dma_start3A_52 = tpu.memref_slice %arg9[%add3A_43, %dma_start3A_51] : memref<40x128xi32, #tpu.memory_space<vmem>> -> memref<1x128xi32, #tpu.memory_space<vmem>>
        %dma_start3A_53 = tpu.memref_squeeze %dma_start3A_52 : memref<1x128xi32, #tpu.memory_space<vmem>> -> memref<128xi32, #tpu.memory_space<vmem>>
        %dma_start3A_54 = arith.constant 0 : i32
        %dma_start3A_55 = arith.constant 0 : i32
        %dma_start3A_56 = tpu.memref_slice %arg7[%dma_start3A_54, %dma_start3A_55] : memref<10112x128xf32, #tpu.memory_space<vmem_shared>> -> memref<10112x128xf32, #tpu.memory_space<vmem_shared>>
        tpu.enqueue_indirect_dma source(%arg11 : memref<128x128xf32, #tpu.memory_space<vmem>>) target(%dma_start3A_56 : memref<10112x128xf32, #tpu.memory_space<vmem_shared>>) offsets(%dma_start3A_53 : memref<128xi32, #tpu.memory_space<vmem>>) semaphore(%run_scoped3A : memref<!tpu.dma_semaphore, #tpu.memory_space<semaphore_mem>>) {add = true}
        %dma_wait3A_57 = arith.constant 0 : i32
        %dma_wait3A_58 = tpu.memref_slice %arg9[%add3A_43, %dma_wait3A_57] : memref<40x128xi32, #tpu.memory_space<vmem>> -> memref<1x128xi32, #tpu.memory_space<vmem>>
        %dma_wait3A_59 = tpu.memref_squeeze %dma_wait3A_58 : memref<1x128xi32, #tpu.memory_space<vmem>> -> memref<128xi32, #tpu.memory_space<vmem>>
        %dma_wait3A_60 = arith.constant 0 : i32
        %dma_wait3A_61 = arith.constant 0 : i32
        %dma_wait3A_62 = tpu.memref_slice %arg7[%dma_wait3A_60, %dma_wait3A_61] : memref<10112x128xf32, #tpu.memory_space<vmem_shared>> -> memref<10112x128xf32, #tpu.memory_space<vmem_shared>>
        tpu.wait_indirect_dma semaphore(%run_scoped3A : memref<!tpu.dma_semaphore, #tpu.memory_space<semaphore_mem>>) src(%arg11 : memref<128x128xf32, #tpu.memory_space<vmem>>) dst(%dma_wait3A_62 : memref<10112x128xf32, #tpu.memory_space<vmem_shared>>)
        tpu.yield
      }) : () -> ()
      %add3A_44 = arith.constant 3 : i32
      %add3A_45 = arith.addi %mul3A_24, %add3A_44 : i32
      %lt3A_46 = arith.constant 40 : i32
      %lt3A_47 = arith.cmpi slt, %add3A_45, %lt3A_46 : i32
      %convert_element_type3A_48 = arith.extui %lt3A_47 : i1 to i32
      %cond3A_49 = arith.constant 0 : i32
      %cond3A_50 = arith.cmpi ne, %convert_element_type3A_48, %cond3A_49 : i32
      scf.if %cond3A_50 {
        %add3A_51 = arith.constant 3 : i32
        %add3A_52 = arith.addi %mul3A_24, %add3A_51 : i32
        %dma_start3A_53 = arith.constant 0 : i32
        %dma_start3A_54 = tpu.memref_slice %arg8[%add3A_52, %dma_start3A_53] : memref<40x128xi32, #tpu.memory_space<vmem>> -> memref<1x128xi32, #tpu.memory_space<vmem>>
        %dma_start3A_55 = tpu.memref_squeeze %dma_start3A_54 : memref<1x128xi32, #tpu.memory_space<vmem>> -> memref<128xi32, #tpu.memory_space<vmem>>
        %dma_start3A_56 = arith.constant 0 : i32
        %dma_start3A_57 = arith.constant 0 : i32
        %dma_start3A_58 = tpu.memref_slice %arg2[%dma_start3A_56, %dma_start3A_57] : memref<10000x128xf32, #tpu.memory_space<hbm>> -> memref<10000x128xf32, #tpu.memory_space<hbm>>
        tpu.enqueue_indirect_dma source(%dma_start3A_58 : memref<10000x128xf32, #tpu.memory_space<hbm>>) target(%arg11 : memref<128x128xf32, #tpu.memory_space<vmem>>) offsets(%dma_start3A_55 : memref<128xi32, #tpu.memory_space<vmem>>) semaphore(%arg13 : memref<!tpu.dma_semaphore, #tpu.memory_space<semaphore_mem>>)
      } else {
      }
    }
    %scan3A_20 = arith.constant 20 : i32
    %barrier3A_21 = arith.constant 0 : index
    tpu.barrier barrier_id(%barrier3A_21)
    "tpu.region"() ({
      %run_scoped3A = tpu.sem_alloc : memref<!tpu.dma_semaphore, #tpu.memory_space<semaphore_mem>>
      %dma_start3A_22 = arith.constant 0 : i32
      %dma_start3A_23 = tpu.memref_slice %arg6[%arg0, %multiple_of3A, %dma_start3A_22] : memref<2x10112x128xf32, #tpu.memory_space<hbm>> -> memref<1x632x128xf32, #tpu.memory_space<hbm>>
      %dma_start3A_24 = tpu.memref_squeeze %dma_start3A_23 : memref<1x632x128xf32, #tpu.memory_space<hbm>> -> memref<632x128xf32, #tpu.memory_space<hbm>>
      %dma_start3A_25 = arith.constant 0 : i32
      %dma_start3A_26 = tpu.memref_slice %arg7[%multiple_of3A, %dma_start3A_25] : memref<10112x128xf32, #tpu.memory_space<vmem_shared>> -> memref<632x128xf32, #tpu.memory_space<vmem_shared>>
      tpu.enqueue_dma source(%dma_start3A_26 : memref<632x128xf32, #tpu.memory_space<vmem_shared>>) target(%dma_start3A_24 : memref<632x128xf32, #tpu.memory_space<hbm>>) target_semaphore(%run_scoped3A : memref<!tpu.dma_semaphore, #tpu.memory_space<semaphore_mem>>)
      %dma_wait3A = arith.constant 0 : i32
      %dma_wait3A_27 = tpu.memref_slice %arg6[%arg0, %multiple_of3A, %dma_wait3A] : memref<2x10112x128xf32, #tpu.memory_space<hbm>> -> memref<1x632x128xf32, #tpu.memory_space<hbm>>
      %dma_wait3A_28 = tpu.memref_squeeze %dma_wait3A_27 : memref<1x632x128xf32, #tpu.memory_space<hbm>> -> memref<632x128xf32, #tpu.memory_space<hbm>>
      %dma_wait3A_29 = arith.constant 0 : i32
      %dma_wait3A_30 = tpu.memref_slice %arg7[%multiple_of3A, %dma_wait3A_29] : memref<10112x128xf32, #tpu.memory_space<vmem_shared>> -> memref<632x128xf32, #tpu.memory_space<vmem_shared>>
      tpu.wait_dma2 semaphore(%run_scoped3A : memref<!tpu.dma_semaphore, #tpu.memory_space<semaphore_mem>>) src(%dma_wait3A_30 : memref<632x128xf32, #tpu.memory_space<vmem_shared>>) dst(%dma_wait3A_28 : memref<632x128xf32, #tpu.memory_space<hbm>>)
      tpu.yield
    }) : () -> ()
    return
  }
}

#map = affine_map<(d0, d1) -> (0, 0)>
#map1 = affine_map<(d0, d1) -> (0, 0, 0)>
module attributes {stable_mosaic.version = 14 : i64} {
  func.func @neg_gather(%arg0: i32, %arg1: i32, %arg2: memref<10000x128xf32, #tpu.memory_space<hbm>>, %arg3: memref<32x25x128xi32, #tpu.memory_space<hbm>>, %arg4: memref<102400x128xf32, #tpu.memory_space<hbm>>, %arg5: memref<25x128xi32, #tpu.memory_space<vmem>>, %arg6: memref<128x128xf32, #tpu.memory_space<vmem>>, %arg7: memref<128x128xf32, #tpu.memory_space<vmem>>, %arg8: memref<!tpu.dma_semaphore, #tpu.memory_space<semaphore_mem>>, %arg9: memref<!tpu.dma_semaphore, #tpu.memory_space<semaphore_mem>>) attributes {dimension_semantics = [#tpu.dimension_semantics<core_parallel>, #tpu.dimension_semantics<subcore_parallel>], iteration_bounds = array<i64: 2, 16>, scalar_prefetch = 0 : i64, scratch_operands = 5 : i64, tpu.core_type = #tpu.core_type<sc_vector_subcore>, window_params = [{transform_indices = #map}, {transform_indices = #map1}, {transform_indices = #map}]} {
    %mul3A = arith.constant 2 : i32
    %mul3A_0 = arith.muli %arg1, %mul3A : i32
    %add3A = arith.addi %mul3A_0, %arg0 : i32
    "tpu.region"() ({
      %run_scoped3A = tpu.sem_alloc : memref<!tpu.dma_semaphore, #tpu.memory_space<semaphore_mem>>
      %dma_start3A_19 = arith.constant 0 : i32
      %dma_start3A_20 = arith.constant 0 : i32
      %dma_start3A_21 = tpu.memref_slice %arg3[%add3A, %dma_start3A_19, %dma_start3A_20] : memref<32x25x128xi32, #tpu.memory_space<hbm>> -> memref<1x25x128xi32, #tpu.memory_space<hbm>>
      %dma_start3A_22 = tpu.memref_squeeze %dma_start3A_21 : memref<1x25x128xi32, #tpu.memory_space<hbm>> -> memref<25x128xi32, #tpu.memory_space<hbm>>
      %dma_start3A_23 = arith.constant 0 : i32
      %dma_start3A_24 = arith.constant 0 : i32
      %dma_start3A_25 = tpu.memref_slice %arg3[%add3A, %dma_start3A_23, %dma_start3A_24] : memref<32x25x128xi32, #tpu.memory_space<hbm>> -> memref<1x25x128xi32, #tpu.memory_space<hbm>>
      %dma_start3A_26 = tpu.memref_squeeze %dma_start3A_25 : memref<1x25x128xi32, #tpu.memory_space<hbm>> -> memref<25x128xi32, #tpu.memory_space<hbm>>
      tpu.enqueue_dma source(%dma_start3A_26 : memref<25x128xi32, #tpu.memory_space<hbm>>) target(%arg5 : memref<25x128xi32, #tpu.memory_space<vmem>>) target_semaphore(%run_scoped3A : memref<!tpu.dma_semaphore, #tpu.memory_space<semaphore_mem>>)
      %dma_wait3A = arith.constant 0 : i32
      %dma_wait3A_27 = arith.constant 0 : i32
      %dma_wait3A_28 = tpu.memref_slice %arg3[%add3A, %dma_wait3A, %dma_wait3A_27] : memref<32x25x128xi32, #tpu.memory_space<hbm>> -> memref<1x25x128xi32, #tpu.memory_space<hbm>>
      %dma_wait3A_29 = tpu.memref_squeeze %dma_wait3A_28 : memref<1x25x128xi32, #tpu.memory_space<hbm>> -> memref<25x128xi32, #tpu.memory_space<hbm>>
      %dma_wait3A_30 = arith.constant 0 : i32
      %dma_wait3A_31 = arith.constant 0 : i32
      %dma_wait3A_32 = tpu.memref_slice %arg3[%add3A, %dma_wait3A_30, %dma_wait3A_31] : memref<32x25x128xi32, #tpu.memory_space<hbm>> -> memref<1x25x128xi32, #tpu.memory_space<hbm>>
      %dma_wait3A_33 = tpu.memref_squeeze %dma_wait3A_32 : memref<1x25x128xi32, #tpu.memory_space<hbm>> -> memref<25x128xi32, #tpu.memory_space<hbm>>
      tpu.wait_dma2 semaphore(%run_scoped3A : memref<!tpu.dma_semaphore, #tpu.memory_space<semaphore_mem>>) src(%dma_wait3A_33 : memref<25x128xi32, #tpu.memory_space<hbm>>) dst(%arg5 : memref<25x128xi32, #tpu.memory_space<vmem>>)
      tpu.yield
    }) : () -> ()
    %dma_start3A = arith.constant 0 : i32
    %dma_start3A_1 = arith.constant 0 : i32
    %dma_start3A_2 = tpu.memref_slice %arg5[%dma_start3A, %dma_start3A_1] : memref<25x128xi32, #tpu.memory_space<vmem>> -> memref<1x128xi32, #tpu.memory_space<vmem>>
    %dma_start3A_3 = tpu.memref_squeeze %dma_start3A_2 : memref<1x128xi32, #tpu.memory_space<vmem>> -> memref<128xi32, #tpu.memory_space<vmem>>
    %dma_start3A_4 = arith.constant 0 : i32
    %dma_start3A_5 = arith.constant 0 : i32
    %dma_start3A_6 = tpu.memref_slice %arg2[%dma_start3A_4, %dma_start3A_5] : memref<10000x128xf32, #tpu.memory_space<hbm>> -> memref<10000x128xf32, #tpu.memory_space<hbm>>
    tpu.enqueue_indirect_dma source(%dma_start3A_6 : memref<10000x128xf32, #tpu.memory_space<hbm>>) target(%arg6 : memref<128x128xf32, #tpu.memory_space<vmem>>) offsets(%dma_start3A_3 : memref<128xi32, #tpu.memory_space<vmem>>) semaphore(%arg8 : memref<!tpu.dma_semaphore, #tpu.memory_space<semaphore_mem>>)
    %dma_start3A_7 = arith.constant 1 : i32
    %dma_start3A_8 = arith.constant 0 : i32
    %dma_start3A_9 = tpu.memref_slice %arg5[%dma_start3A_7, %dma_start3A_8] : memref<25x128xi32, #tpu.memory_space<vmem>> -> memref<1x128xi32, #tpu.memory_space<vmem>>
    %dma_start3A_10 = tpu.memref_squeeze %dma_start3A_9 : memref<1x128xi32, #tpu.memory_space<vmem>> -> memref<128xi32, #tpu.memory_space<vmem>>
    %dma_start3A_11 = arith.constant 0 : i32
    %dma_start3A_12 = arith.constant 0 : i32
    %dma_start3A_13 = tpu.memref_slice %arg2[%dma_start3A_11, %dma_start3A_12] : memref<10000x128xf32, #tpu.memory_space<hbm>> -> memref<10000x128xf32, #tpu.memory_space<hbm>>
    tpu.enqueue_indirect_dma source(%dma_start3A_13 : memref<10000x128xf32, #tpu.memory_space<hbm>>) target(%arg7 : memref<128x128xf32, #tpu.memory_space<vmem>>) offsets(%dma_start3A_10 : memref<128xi32, #tpu.memory_space<vmem>>) semaphore(%arg9 : memref<!tpu.dma_semaphore, #tpu.memory_space<semaphore_mem>>)
    %scan3A = arith.constant 0 : i32
    %scan3A_14 = arith.constant 0 : i32
    %scan3A_15 = arith.constant 25 : i32
    %scan3A_16 = arith.addi %scan3A_14, %scan3A_15 : i32
    %scan3A_17 = arith.constant 1 : i32
    scf.for %scan3A_19 = %scan3A_14 to %scan3A_16 step %scan3A_17  : i32 {
      %mul3A_20 = arith.constant 3200 : i32
      %mul3A_21 = arith.muli %add3A, %mul3A_20 : i32
      %mul3A_22 = arith.constant 128 : i32
      %mul3A_23 = arith.muli %scan3A_19, %mul3A_22 : i32
      %add3A_24 = arith.addi %mul3A_21, %mul3A_23 : i32
      %rem3A = arith.constant 2 : i32
      %rem3A_25 = arith.remsi %scan3A_19, %rem3A : i32
      %eq3A = arith.constant 0 : i32
      %eq3A_26 = arith.cmpi eq, %rem3A_25, %eq3A : i32
      %convert_element_type3A = arith.extui %eq3A_26 : i1 to i32
      %cond3A = arith.constant 0 : i32
      %cond3A_27 = arith.cmpi ne, %convert_element_type3A, %cond3A : i32
      scf.if %cond3A_27 {
        %dma_wait3A = arith.constant 0 : i32
        %dma_wait3A_32 = arith.constant 0 : i32
        %dma_wait3A_33 = tpu.memref_slice %arg5[%dma_wait3A, %dma_wait3A_32] : memref<25x128xi32, #tpu.memory_space<vmem>> -> memref<1x128xi32, #tpu.memory_space<vmem>>
        %dma_wait3A_34 = tpu.memref_squeeze %dma_wait3A_33 : memref<1x128xi32, #tpu.memory_space<vmem>> -> memref<128xi32, #tpu.memory_space<vmem>>
        %dma_wait3A_35 = arith.constant 0 : i32
        %dma_wait3A_36 = arith.constant 0 : i32
        %dma_wait3A_37 = tpu.memref_slice %arg2[%dma_wait3A_35, %dma_wait3A_36] : memref<10000x128xf32, #tpu.memory_space<hbm>> -> memref<10000x128xf32, #tpu.memory_space<hbm>>
        tpu.wait_indirect_dma semaphore(%arg8 : memref<!tpu.dma_semaphore, #tpu.memory_space<semaphore_mem>>) src(%dma_wait3A_37 : memref<10000x128xf32, #tpu.memory_space<hbm>>) dst(%arg6 : memref<128x128xf32, #tpu.memory_space<vmem>>)
        "tpu.region"() ({
          %run_scoped3A = tpu.sem_alloc : memref<!tpu.dma_semaphore, #tpu.memory_space<semaphore_mem>>
          %dma_start3A_44 = arith.constant 0 : i32
          %dma_start3A_45 = tpu.memref_slice %arg4[%add3A_24, %dma_start3A_44] : memref<102400x128xf32, #tpu.memory_space<hbm>> -> memref<128x128xf32, #tpu.memory_space<hbm>>
          %dma_start3A_46 = arith.constant 0 : i32
          %dma_start3A_47 = tpu.memref_slice %arg4[%add3A_24, %dma_start3A_46] : memref<102400x128xf32, #tpu.memory_space<hbm>> -> memref<128x128xf32, #tpu.memory_space<hbm>>
          tpu.enqueue_dma source(%arg6 : memref<128x128xf32, #tpu.memory_space<vmem>>) target(%dma_start3A_47 : memref<128x128xf32, #tpu.memory_space<hbm>>) target_semaphore(%run_scoped3A : memref<!tpu.dma_semaphore, #tpu.memory_space<semaphore_mem>>)
          %dma_wait3A_48 = arith.constant 0 : i32
          %dma_wait3A_49 = tpu.memref_slice %arg4[%add3A_24, %dma_wait3A_48] : memref<102400x128xf32, #tpu.memory_space<hbm>> -> memref<128x128xf32, #tpu.memory_space<hbm>>
          %dma_wait3A_50 = arith.constant 0 : i32
          %dma_wait3A_51 = tpu.memref_slice %arg4[%add3A_24, %dma_wait3A_50] : memref<102400x128xf32, #tpu.memory_space<hbm>> -> memref<128x128xf32, #tpu.memory_space<hbm>>
          tpu.wait_dma2 semaphore(%run_scoped3A : memref<!tpu.dma_semaphore, #tpu.memory_space<semaphore_mem>>) src(%arg6 : memref<128x128xf32, #tpu.memory_space<vmem>>) dst(%dma_wait3A_51 : memref<128x128xf32, #tpu.memory_space<hbm>>)
          tpu.yield
        }) : () -> ()
        %add3A_38 = arith.constant 2 : i32
        %add3A_39 = arith.addi %scan3A_19, %add3A_38 : i32
        %lt3A = arith.constant 25 : i32
        %lt3A_40 = arith.cmpi slt, %add3A_39, %lt3A : i32
        %convert_element_type3A_41 = arith.extui %lt3A_40 : i1 to i32
        %cond3A_42 = arith.constant 0 : i32
        %cond3A_43 = arith.cmpi ne, %convert_element_type3A_41, %cond3A_42 : i32
        scf.if %cond3A_43 {
          %add3A_44 = arith.constant 2 : i32
          %add3A_45 = arith.addi %scan3A_19, %add3A_44 : i32
          %dma_start3A_46 = arith.constant 0 : i32
          %dma_start3A_47 = tpu.memref_slice %arg5[%add3A_45, %dma_start3A_46] : memref<25x128xi32, #tpu.memory_space<vmem>> -> memref<1x128xi32, #tpu.memory_space<vmem>>
          %dma_start3A_48 = tpu.memref_squeeze %dma_start3A_47 : memref<1x128xi32, #tpu.memory_space<vmem>> -> memref<128xi32, #tpu.memory_space<vmem>>
          %dma_start3A_49 = arith.constant 0 : i32
          %dma_start3A_50 = arith.constant 0 : i32
          %dma_start3A_51 = tpu.memref_slice %arg2[%dma_start3A_49, %dma_start3A_50] : memref<10000x128xf32, #tpu.memory_space<hbm>> -> memref<10000x128xf32, #tpu.memory_space<hbm>>
          tpu.enqueue_indirect_dma source(%dma_start3A_51 : memref<10000x128xf32, #tpu.memory_space<hbm>>) target(%arg6 : memref<128x128xf32, #tpu.memory_space<vmem>>) offsets(%dma_start3A_48 : memref<128xi32, #tpu.memory_space<vmem>>) semaphore(%arg8 : memref<!tpu.dma_semaphore, #tpu.memory_space<semaphore_mem>>)
        } else {
        }
      } else {
      }
      %not3A = arith.constant true
      %not3A_28 = arith.xori %eq3A_26, %not3A : i1
      %convert_element_type3A_29 = arith.extui %not3A_28 : i1 to i32
      %cond3A_30 = arith.constant 0 : i32
      %cond3A_31 = arith.cmpi ne, %convert_element_type3A_29, %cond3A_30 : i32
      scf.if %cond3A_31 {
        %dma_wait3A = arith.constant 0 : i32
        %dma_wait3A_32 = arith.constant 0 : i32
        %dma_wait3A_33 = tpu.memref_slice %arg5[%dma_wait3A, %dma_wait3A_32] : memref<25x128xi32, #tpu.memory_space<vmem>> -> memref<1x128xi32, #tpu.memory_space<vmem>>
        %dma_wait3A_34 = tpu.memref_squeeze %dma_wait3A_33 : memref<1x128xi32, #tpu.memory_space<vmem>> -> memref<128xi32, #tpu.memory_space<vmem>>
        %dma_wait3A_35 = arith.constant 0 : i32
        %dma_wait3A_36 = arith.constant 0 : i32
        %dma_wait3A_37 = tpu.memref_slice %arg2[%dma_wait3A_35, %dma_wait3A_36] : memref<10000x128xf32, #tpu.memory_space<hbm>> -> memref<10000x128xf32, #tpu.memory_space<hbm>>
        tpu.wait_indirect_dma semaphore(%arg9 : memref<!tpu.dma_semaphore, #tpu.memory_space<semaphore_mem>>) src(%dma_wait3A_37 : memref<10000x128xf32, #tpu.memory_space<hbm>>) dst(%arg7 : memref<128x128xf32, #tpu.memory_space<vmem>>)
        "tpu.region"() ({
          %run_scoped3A = tpu.sem_alloc : memref<!tpu.dma_semaphore, #tpu.memory_space<semaphore_mem>>
          %dma_start3A_44 = arith.constant 0 : i32
          %dma_start3A_45 = tpu.memref_slice %arg4[%add3A_24, %dma_start3A_44] : memref<102400x128xf32, #tpu.memory_space<hbm>> -> memref<128x128xf32, #tpu.memory_space<hbm>>
          %dma_start3A_46 = arith.constant 0 : i32
          %dma_start3A_47 = tpu.memref_slice %arg4[%add3A_24, %dma_start3A_46] : memref<102400x128xf32, #tpu.memory_space<hbm>> -> memref<128x128xf32, #tpu.memory_space<hbm>>
          tpu.enqueue_dma source(%arg7 : memref<128x128xf32, #tpu.memory_space<vmem>>) target(%dma_start3A_47 : memref<128x128xf32, #tpu.memory_space<hbm>>) target_semaphore(%run_scoped3A : memref<!tpu.dma_semaphore, #tpu.memory_space<semaphore_mem>>)
          %dma_wait3A_48 = arith.constant 0 : i32
          %dma_wait3A_49 = tpu.memref_slice %arg4[%add3A_24, %dma_wait3A_48] : memref<102400x128xf32, #tpu.memory_space<hbm>> -> memref<128x128xf32, #tpu.memory_space<hbm>>
          %dma_wait3A_50 = arith.constant 0 : i32
          %dma_wait3A_51 = tpu.memref_slice %arg4[%add3A_24, %dma_wait3A_50] : memref<102400x128xf32, #tpu.memory_space<hbm>> -> memref<128x128xf32, #tpu.memory_space<hbm>>
          tpu.wait_dma2 semaphore(%run_scoped3A : memref<!tpu.dma_semaphore, #tpu.memory_space<semaphore_mem>>) src(%arg7 : memref<128x128xf32, #tpu.memory_space<vmem>>) dst(%dma_wait3A_51 : memref<128x128xf32, #tpu.memory_space<hbm>>)
          tpu.yield
        }) : () -> ()
        %add3A_38 = arith.constant 2 : i32
        %add3A_39 = arith.addi %scan3A_19, %add3A_38 : i32
        %lt3A = arith.constant 25 : i32
        %lt3A_40 = arith.cmpi slt, %add3A_39, %lt3A : i32
        %convert_element_type3A_41 = arith.extui %lt3A_40 : i1 to i32
        %cond3A_42 = arith.constant 0 : i32
        %cond3A_43 = arith.cmpi ne, %convert_element_type3A_41, %cond3A_42 : i32
        scf.if %cond3A_43 {
          %add3A_44 = arith.constant 2 : i32
          %add3A_45 = arith.addi %scan3A_19, %add3A_44 : i32
          %dma_start3A_46 = arith.constant 0 : i32
          %dma_start3A_47 = tpu.memref_slice %arg5[%add3A_45, %dma_start3A_46] : memref<25x128xi32, #tpu.memory_space<vmem>> -> memref<1x128xi32, #tpu.memory_space<vmem>>
          %dma_start3A_48 = tpu.memref_squeeze %dma_start3A_47 : memref<1x128xi32, #tpu.memory_space<vmem>> -> memref<128xi32, #tpu.memory_space<vmem>>
          %dma_start3A_49 = arith.constant 0 : i32
          %dma_start3A_50 = arith.constant 0 : i32
          %dma_start3A_51 = tpu.memref_slice %arg2[%dma_start3A_49, %dma_start3A_50] : memref<10000x128xf32, #tpu.memory_space<hbm>> -> memref<10000x128xf32, #tpu.memory_space<hbm>>
          tpu.enqueue_indirect_dma source(%dma_start3A_51 : memref<10000x128xf32, #tpu.memory_space<hbm>>) target(%arg7 : memref<128x128xf32, #tpu.memory_space<vmem>>) offsets(%dma_start3A_48 : memref<128xi32, #tpu.memory_space<vmem>>) semaphore(%arg9 : memref<!tpu.dma_semaphore, #tpu.memory_space<semaphore_mem>>)
        } else {
        }
      } else {
      }
    }
    %scan3A_18 = arith.constant 25 : i32
    return
  }
}

#map = affine_map<(d0, d1) -> (0, 0)>
#map1 = affine_map<(d0, d1) -> (0, 0, 0)>
module attributes {stable_mosaic.version = 14 : i64} {
  func.func @segsum(%arg0: i32, %arg1: i32, %arg2: memref<10000x128xf32, #tpu.memory_space<hbm>>, %arg3: memref<32x40x128xi32, #tpu.memory_space<hbm>>, %arg4: memref<32x40x128xi32, #tpu.memory_space<hbm>>, %arg5: memref<10112x128xf32, #tpu.memory_space<hbm>>, %arg6: memref<2x10112x128xf32, #tpu.memory_space<hbm>>, %arg7: memref<10112x128xf32, #tpu.memory_space<vmem_shared>>, %arg8: memref<40x128xi32, #tpu.memory_space<vmem>>, %arg9: memref<40x128xi32, #tpu.memory_space<vmem>>, %arg10: memref<128x128xf32, #tpu.memory_space<vmem>>, %arg11: memref<128x128xf32, #tpu.memory_space<vmem>>, %arg12: memref<!tpu.dma_semaphore, #tpu.memory_space<semaphore_mem>>, %arg13: memref<!tpu.dma_semaphore, #tpu.memory_space<semaphore_mem>>) attributes {dimension_semantics = [#tpu.dimension_semantics<core_parallel>, #tpu.dimension_semantics<subcore_parallel>], iteration_bounds = array<i64: 2, 16>, scalar_prefetch = 0 : i64, scratch_operands = 7 : i64, tpu.core_type = #tpu.core_type<sc_vector_subcore>, window_params = [{transform_indices = #map}, {transform_indices = #map1}, {transform_indices = #map1}, {transform_indices = #map}, {transform_indices = #map1}]} {
    %mul3A = arith.constant 2 : i32
    %mul3A_0 = arith.muli %arg1, %mul3A : i32
    %add3A = arith.addi %mul3A_0, %arg0 : i32
    %mul3A_1 = arith.constant 632 : i32
    %mul3A_2 = arith.muli %arg1, %mul3A_1 : i32
    %multiple_of3A = tpu.assume_multiple %mul3A_2, 8 : i32
    "tpu.region"() ({
      %run_scoped3A = tpu.sem_alloc : memref<!tpu.dma_semaphore, #tpu.memory_space<semaphore_mem>>
      %dma_start3A_22 = arith.constant 0 : i32
      %dma_start3A_23 = arith.constant 0 : i32
      %dma_start3A_24 = tpu.memref_slice %arg3[%add3A, %dma_start3A_22, %dma_start3A_23] : memref<32x40x128xi32, #tpu.memory_space<hbm>> -> memref<1x40x128xi32, #tpu.memory_space<hbm>>
      %dma_start3A_25 = tpu.memref_squeeze %dma_start3A_24 : memref<1x40x128xi32, #tpu.memory_space<hbm>> -> memref<40x128xi32, #tpu.memory_space<hbm>>
      %dma_start3A_26 = arith.constant 0 : i32
      %dma_start3A_27 = arith.constant 0 : i32
      %dma_start3A_28 = tpu.memref_slice %arg3[%add3A, %dma_start3A_26, %dma_start3A_27] : memref<32x40x128xi32, #tpu.memory_space<hbm>> -> memref<1x40x128xi32, #tpu.memory_space<hbm>>
      %dma_start3A_29 = tpu.memref_squeeze %dma_start3A_28 : memref<1x40x128xi32, #tpu.memory_space<hbm>> -> memref<40x128xi32, #tpu.memory_space<hbm>>
      tpu.enqueue_dma source(%dma_start3A_29 : memref<40x128xi32, #tpu.memory_space<hbm>>) target(%arg8 : memref<40x128xi32, #tpu.memory_space<vmem>>) target_semaphore(%run_scoped3A : memref<!tpu.dma_semaphore, #tpu.memory_space<semaphore_mem>>)
      %dma_wait3A = arith.constant 0 : i32
      %dma_wait3A_30 = arith.constant 0 : i32
      %dma_wait3A_31 = tpu.memref_slice %arg3[%add3A, %dma_wait3A, %dma_wait3A_30] : memref<32x40x128xi32, #tpu.memory_space<hbm>> -> memref<1x40x128xi32, #tpu.memory_space<hbm>>
      %dma_wait3A_32 = tpu.memref_squeeze %dma_wait3A_31 : memref<1x40x128xi32, #tpu.memory_space<hbm>> -> memref<40x128xi32, #tpu.memory_space<hbm>>
      %dma_wait3A_33 = arith.constant 0 : i32
      %dma_wait3A_34 = arith.constant 0 : i32
      %dma_wait3A_35 = tpu.memref_slice %arg3[%add3A, %dma_wait3A_33, %dma_wait3A_34] : memref<32x40x128xi32, #tpu.memory_space<hbm>> -> memref<1x40x128xi32, #tpu.memory_space<hbm>>
      %dma_wait3A_36 = tpu.memref_squeeze %dma_wait3A_35 : memref<1x40x128xi32, #tpu.memory_space<hbm>> -> memref<40x128xi32, #tpu.memory_space<hbm>>
      tpu.wait_dma2 semaphore(%run_scoped3A : memref<!tpu.dma_semaphore, #tpu.memory_space<semaphore_mem>>) src(%dma_wait3A_36 : memref<40x128xi32, #tpu.memory_space<hbm>>) dst(%arg8 : memref<40x128xi32, #tpu.memory_space<vmem>>)
      tpu.yield
    }) : () -> ()
    "tpu.region"() ({
      %run_scoped3A = tpu.sem_alloc : memref<!tpu.dma_semaphore, #tpu.memory_space<semaphore_mem>>
      %dma_start3A_22 = arith.constant 0 : i32
      %dma_start3A_23 = arith.constant 0 : i32
      %dma_start3A_24 = tpu.memref_slice %arg4[%add3A, %dma_start3A_22, %dma_start3A_23] : memref<32x40x128xi32, #tpu.memory_space<hbm>> -> memref<1x40x128xi32, #tpu.memory_space<hbm>>
      %dma_start3A_25 = tpu.memref_squeeze %dma_start3A_24 : memref<1x40x128xi32, #tpu.memory_space<hbm>> -> memref<40x128xi32, #tpu.memory_space<hbm>>
      %dma_start3A_26 = arith.constant 0 : i32
      %dma_start3A_27 = arith.constant 0 : i32
      %dma_start3A_28 = tpu.memref_slice %arg4[%add3A, %dma_start3A_26, %dma_start3A_27] : memref<32x40x128xi32, #tpu.memory_space<hbm>> -> memref<1x40x128xi32, #tpu.memory_space<hbm>>
      %dma_start3A_29 = tpu.memref_squeeze %dma_start3A_28 : memref<1x40x128xi32, #tpu.memory_space<hbm>> -> memref<40x128xi32, #tpu.memory_space<hbm>>
      tpu.enqueue_dma source(%dma_start3A_29 : memref<40x128xi32, #tpu.memory_space<hbm>>) target(%arg9 : memref<40x128xi32, #tpu.memory_space<vmem>>) target_semaphore(%run_scoped3A : memref<!tpu.dma_semaphore, #tpu.memory_space<semaphore_mem>>)
      %dma_wait3A = arith.constant 0 : i32
      %dma_wait3A_30 = arith.constant 0 : i32
      %dma_wait3A_31 = tpu.memref_slice %arg4[%add3A, %dma_wait3A, %dma_wait3A_30] : memref<32x40x128xi32, #tpu.memory_space<hbm>> -> memref<1x40x128xi32, #tpu.memory_space<hbm>>
      %dma_wait3A_32 = tpu.memref_squeeze %dma_wait3A_31 : memref<1x40x128xi32, #tpu.memory_space<hbm>> -> memref<40x128xi32, #tpu.memory_space<hbm>>
      %dma_wait3A_33 = arith.constant 0 : i32
      %dma_wait3A_34 = arith.constant 0 : i32
      %dma_wait3A_35 = tpu.memref_slice %arg4[%add3A, %dma_wait3A_33, %dma_wait3A_34] : memref<32x40x128xi32, #tpu.memory_space<hbm>> -> memref<1x40x128xi32, #tpu.memory_space<hbm>>
      %dma_wait3A_36 = tpu.memref_squeeze %dma_wait3A_35 : memref<1x40x128xi32, #tpu.memory_space<hbm>> -> memref<40x128xi32, #tpu.memory_space<hbm>>
      tpu.wait_dma2 semaphore(%run_scoped3A : memref<!tpu.dma_semaphore, #tpu.memory_space<semaphore_mem>>) src(%dma_wait3A_36 : memref<40x128xi32, #tpu.memory_space<hbm>>) dst(%arg9 : memref<40x128xi32, #tpu.memory_space<vmem>>)
      tpu.yield
    }) : () -> ()
    "tpu.region"() ({
      %run_scoped3A = tpu.sem_alloc : memref<!tpu.dma_semaphore, #tpu.memory_space<semaphore_mem>>
      %dma_start3A_22 = arith.constant 0 : i32
      %dma_start3A_23 = tpu.memref_slice %arg7[%multiple_of3A, %dma_start3A_22] : memref<10112x128xf32, #tpu.memory_space<vmem_shared>> -> memref<632x128xf32, #tpu.memory_space<vmem_shared>>
      %dma_start3A_24 = arith.constant 0 : i32
      %dma_start3A_25 = tpu.memref_slice %arg5[%multiple_of3A, %dma_start3A_24] : memref<10112x128xf32, #tpu.memory_space<hbm>> -> memref<632x128xf32, #tpu.memory_space<hbm>>
      tpu.enqueue_dma source(%dma_start3A_25 : memref<632x128xf32, #tpu.memory_space<hbm>>) target(%dma_start3A_23 : memref<632x128xf32, #tpu.memory_space<vmem_shared>>) target_semaphore(%run_scoped3A : memref<!tpu.dma_semaphore, #tpu.memory_space<semaphore_mem>>)
      %dma_wait3A = arith.constant 0 : i32
      %dma_wait3A_26 = tpu.memref_slice %arg7[%multiple_of3A, %dma_wait3A] : memref<10112x128xf32, #tpu.memory_space<vmem_shared>> -> memref<632x128xf32, #tpu.memory_space<vmem_shared>>
      %dma_wait3A_27 = arith.constant 0 : i32
      %dma_wait3A_28 = tpu.memref_slice %arg5[%multiple_of3A, %dma_wait3A_27] : memref<10112x128xf32, #tpu.memory_space<hbm>> -> memref<632x128xf32, #tpu.memory_space<hbm>>
      tpu.wait_dma2 semaphore(%run_scoped3A : memref<!tpu.dma_semaphore, #tpu.memory_space<semaphore_mem>>) src(%dma_wait3A_28 : memref<632x128xf32, #tpu.memory_space<hbm>>) dst(%dma_wait3A_26 : memref<632x128xf32, #tpu.memory_space<vmem_shared>>)
      tpu.yield
    }) : () -> ()
    %barrier3A = arith.constant 0 : index
    tpu.barrier barrier_id(%barrier3A)
    %dma_start3A = arith.constant 0 : i32
    %dma_start3A_3 = arith.constant 0 : i32
    %dma_start3A_4 = tpu.memref_slice %arg8[%dma_start3A, %dma_start3A_3] : memref<40x128xi32, #tpu.memory_space<vmem>> -> memref<1x128xi32, #tpu.memory_space<vmem>>
    %dma_start3A_5 = tpu.memref_squeeze %dma_start3A_4 : memref<1x128xi32, #tpu.memory_space<vmem>> -> memref<128xi32, #tpu.memory_space<vmem>>
    %dma_start3A_6 = arith.constant 0 : i32
    %dma_start3A_7 = arith.constant 0 : i32
    %dma_start3A_8 = tpu.memref_slice %arg2[%dma_start3A_6, %dma_start3A_7] : memref<10000x128xf32, #tpu.memory_space<hbm>> -> memref<10000x128xf32, #tpu.memory_space<hbm>>
    tpu.enqueue_indirect_dma source(%dma_start3A_8 : memref<10000x128xf32, #tpu.memory_space<hbm>>) target(%arg10 : memref<128x128xf32, #tpu.memory_space<vmem>>) offsets(%dma_start3A_5 : memref<128xi32, #tpu.memory_space<vmem>>) semaphore(%arg12 : memref<!tpu.dma_semaphore, #tpu.memory_space<semaphore_mem>>)
    %dma_start3A_9 = arith.constant 1 : i32
    %dma_start3A_10 = arith.constant 0 : i32
    %dma_start3A_11 = tpu.memref_slice %arg8[%dma_start3A_9, %dma_start3A_10] : memref<40x128xi32, #tpu.memory_space<vmem>> -> memref<1x128xi32, #tpu.memory_space<vmem>>
    %dma_start3A_12 = tpu.memref_squeeze %dma_start3A_11 : memref<1x128xi32, #tpu.memory_space<vmem>> -> memref<128xi32, #tpu.memory_space<vmem>>
    %dma_start3A_13 = arith.constant 0 : i32
    %dma_start3A_14 = arith.constant 0 : i32
    %dma_start3A_15 = tpu.memref_slice %arg2[%dma_start3A_13, %dma_start3A_14] : memref<10000x128xf32, #tpu.memory_space<hbm>> -> memref<10000x128xf32, #tpu.memory_space<hbm>>
    tpu.enqueue_indirect_dma source(%dma_start3A_15 : memref<10000x128xf32, #tpu.memory_space<hbm>>) target(%arg11 : memref<128x128xf32, #tpu.memory_space<vmem>>) offsets(%dma_start3A_12 : memref<128xi32, #tpu.memory_space<vmem>>) semaphore(%arg13 : memref<!tpu.dma_semaphore, #tpu.memory_space<semaphore_mem>>)
    %scan3A = arith.constant 0 : i32
    %scan3A_16 = arith.constant 0 : i32
    %scan3A_17 = arith.constant 20 : i32
    %scan3A_18 = arith.addi %scan3A_16, %scan3A_17 : i32
    %scan3A_19 = arith.constant 1 : i32
    scf.for %scan3A_22 = %scan3A_16 to %scan3A_18 step %scan3A_19  : i32 {
      %mul3A_23 = arith.constant 2 : i32
      %mul3A_24 = arith.muli %scan3A_22, %mul3A_23 : i32
      %dma_wait3A = arith.constant 0 : i32
      %dma_wait3A_25 = arith.constant 0 : i32
      %dma_wait3A_26 = tpu.memref_slice %arg8[%dma_wait3A, %dma_wait3A_25] : memref<40x128xi32, #tpu.memory_space<vmem>> -> memref<1x128xi32, #tpu.memory_space<vmem>>
      %dma_wait3A_27 = tpu.memref_squeeze %dma_wait3A_26 : memref<1x128xi32, #tpu.memory_space<vmem>> -> memref<128xi32, #tpu.memory_space<vmem>>
      %dma_wait3A_28 = arith.constant 0 : i32
      %dma_wait3A_29 = arith.constant 0 : i32
      %dma_wait3A_30 = tpu.memref_slice %arg2[%dma_wait3A_28, %dma_wait3A_29] : memref<10000x128xf32, #tpu.memory_space<hbm>> -> memref<10000x128xf32, #tpu.memory_space<hbm>>
      tpu.wait_indirect_dma semaphore(%arg12 : memref<!tpu.dma_semaphore, #tpu.memory_space<semaphore_mem>>) src(%dma_wait3A_30 : memref<10000x128xf32, #tpu.memory_space<hbm>>) dst(%arg10 : memref<128x128xf32, #tpu.memory_space<vmem>>)
      "tpu.region"() ({
        %run_scoped3A = tpu.sem_alloc : memref<!tpu.dma_semaphore, #tpu.memory_space<semaphore_mem>>
        %dma_start3A_51 = arith.constant 0 : i32
        %dma_start3A_52 = tpu.memref_slice %arg9[%mul3A_24, %dma_start3A_51] : memref<40x128xi32, #tpu.memory_space<vmem>> -> memref<1x128xi32, #tpu.memory_space<vmem>>
        %dma_start3A_53 = tpu.memref_squeeze %dma_start3A_52 : memref<1x128xi32, #tpu.memory_space<vmem>> -> memref<128xi32, #tpu.memory_space<vmem>>
        %dma_start3A_54 = arith.constant 0 : i32
        %dma_start3A_55 = arith.constant 0 : i32
        %dma_start3A_56 = tpu.memref_slice %arg7[%dma_start3A_54, %dma_start3A_55] : memref<10112x128xf32, #tpu.memory_space<vmem_shared>> -> memref<10112x128xf32, #tpu.memory_space<vmem_shared>>
        tpu.enqueue_indirect_dma source(%arg10 : memref<128x128xf32, #tpu.memory_space<vmem>>) target(%dma_start3A_56 : memref<10112x128xf32, #tpu.memory_space<vmem_shared>>) offsets(%dma_start3A_53 : memref<128xi32, #tpu.memory_space<vmem>>) semaphore(%run_scoped3A : memref<!tpu.dma_semaphore, #tpu.memory_space<semaphore_mem>>) {add = true}
        %dma_wait3A_57 = arith.constant 0 : i32
        %dma_wait3A_58 = tpu.memref_slice %arg9[%mul3A_24, %dma_wait3A_57] : memref<40x128xi32, #tpu.memory_space<vmem>> -> memref<1x128xi32, #tpu.memory_space<vmem>>
        %dma_wait3A_59 = tpu.memref_squeeze %dma_wait3A_58 : memref<1x128xi32, #tpu.memory_space<vmem>> -> memref<128xi32, #tpu.memory_space<vmem>>
        %dma_wait3A_60 = arith.constant 0 : i32
        %dma_wait3A_61 = arith.constant 0 : i32
        %dma_wait3A_62 = tpu.memref_slice %arg7[%dma_wait3A_60, %dma_wait3A_61] : memref<10112x128xf32, #tpu.memory_space<vmem_shared>> -> memref<10112x128xf32, #tpu.memory_space<vmem_shared>>
        tpu.wait_indirect_dma semaphore(%run_scoped3A : memref<!tpu.dma_semaphore, #tpu.memory_space<semaphore_mem>>) src(%arg10 : memref<128x128xf32, #tpu.memory_space<vmem>>) dst(%dma_wait3A_62 : memref<10112x128xf32, #tpu.memory_space<vmem_shared>>)
        tpu.yield
      }) : () -> ()
      %add3A_31 = arith.constant 2 : i32
      %add3A_32 = arith.addi %mul3A_24, %add3A_31 : i32
      %lt3A = arith.constant 40 : i32
      %lt3A_33 = arith.cmpi slt, %add3A_32, %lt3A : i32
      %convert_element_type3A = arith.extui %lt3A_33 : i1 to i32
      %cond3A = arith.constant 0 : i32
      %cond3A_34 = arith.cmpi ne, %convert_element_type3A, %cond3A : i32
      scf.if %cond3A_34 {
        %add3A_51 = arith.constant 2 : i32
        %add3A_52 = arith.addi %mul3A_24, %add3A_51 : i32
        %dma_start3A_53 = arith.constant 0 : i32
        %dma_start3A_54 = tpu.memref_slice %arg8[%add3A_52, %dma_start3A_53] : memref<40x128xi32, #tpu.memory_space<vmem>> -> memref<1x128xi32, #tpu.memory_space<vmem>>
        %dma_start3A_55 = tpu.memref_squeeze %dma_start3A_54 : memref<1x128xi32, #tpu.memory_space<vmem>> -> memref<128xi32, #tpu.memory_space<vmem>>
        %dma_start3A_56 = arith.constant 0 : i32
        %dma_start3A_57 = arith.constant 0 : i32
        %dma_start3A_58 = tpu.memref_slice %arg2[%dma_start3A_56, %dma_start3A_57] : memref<10000x128xf32, #tpu.memory_space<hbm>> -> memref<10000x128xf32, #tpu.memory_space<hbm>>
        tpu.enqueue_indirect_dma source(%dma_start3A_58 : memref<10000x128xf32, #tpu.memory_space<hbm>>) target(%arg10 : memref<128x128xf32, #tpu.memory_space<vmem>>) offsets(%dma_start3A_55 : memref<128xi32, #tpu.memory_space<vmem>>) semaphore(%arg12 : memref<!tpu.dma_semaphore, #tpu.memory_space<semaphore_mem>>)
      } else {
      }
      %dma_wait3A_35 = arith.constant 0 : i32
      %dma_wait3A_36 = arith.constant 0 : i32
      %dma_wait3A_37 = tpu.memref_slice %arg8[%dma_wait3A_35, %dma_wait3A_36] : memref<40x128xi32, #tpu.memory_space<vmem>> -> memref<1x128xi32, #tpu.memory_space<vmem>>
      %dma_wait3A_38 = tpu.memref_squeeze %dma_wait3A_37 : memref<1x128xi32, #tpu.memory_space<vmem>> -> memref<128xi32, #tpu.memory_space<vmem>>
      %dma_wait3A_39 = arith.constant 0 : i32
      %dma_wait3A_40 = arith.constant 0 : i32
      %dma_wait3A_41 = tpu.memref_slice %arg2[%dma_wait3A_39, %dma_wait3A_40] : memref<10000x128xf32, #tpu.memory_space<hbm>> -> memref<10000x128xf32, #tpu.memory_space<hbm>>
      tpu.wait_indirect_dma semaphore(%arg13 : memref<!tpu.dma_semaphore, #tpu.memory_space<semaphore_mem>>) src(%dma_wait3A_41 : memref<10000x128xf32, #tpu.memory_space<hbm>>) dst(%arg11 : memref<128x128xf32, #tpu.memory_space<vmem>>)
      %add3A_42 = arith.constant 1 : i32
      %add3A_43 = arith.addi %mul3A_24, %add3A_42 : i32
      "tpu.region"() ({
        %run_scoped3A = tpu.sem_alloc : memref<!tpu.dma_semaphore, #tpu.memory_space<semaphore_mem>>
        %dma_start3A_51 = arith.constant 0 : i32
        %dma_start3A_52 = tpu.memref_slice %arg9[%add3A_43, %dma_start3A_51] : memref<40x128xi32, #tpu.memory_space<vmem>> -> memref<1x128xi32, #tpu.memory_space<vmem>>
        %dma_start3A_53 = tpu.memref_squeeze %dma_start3A_52 : memref<1x128xi32, #tpu.memory_space<vmem>> -> memref<128xi32, #tpu.memory_space<vmem>>
        %dma_start3A_54 = arith.constant 0 : i32
        %dma_start3A_55 = arith.constant 0 : i32
        %dma_start3A_56 = tpu.memref_slice %arg7[%dma_start3A_54, %dma_start3A_55] : memref<10112x128xf32, #tpu.memory_space<vmem_shared>> -> memref<10112x128xf32, #tpu.memory_space<vmem_shared>>
        tpu.enqueue_indirect_dma source(%arg11 : memref<128x128xf32, #tpu.memory_space<vmem>>) target(%dma_start3A_56 : memref<10112x128xf32, #tpu.memory_space<vmem_shared>>) offsets(%dma_start3A_53 : memref<128xi32, #tpu.memory_space<vmem>>) semaphore(%run_scoped3A : memref<!tpu.dma_semaphore, #tpu.memory_space<semaphore_mem>>) {add = true}
        %dma_wait3A_57 = arith.constant 0 : i32
        %dma_wait3A_58 = tpu.memref_slice %arg9[%add3A_43, %dma_wait3A_57] : memref<40x128xi32, #tpu.memory_space<vmem>> -> memref<1x128xi32, #tpu.memory_space<vmem>>
        %dma_wait3A_59 = tpu.memref_squeeze %dma_wait3A_58 : memref<1x128xi32, #tpu.memory_space<vmem>> -> memref<128xi32, #tpu.memory_space<vmem>>
        %dma_wait3A_60 = arith.constant 0 : i32
        %dma_wait3A_61 = arith.constant 0 : i32
        %dma_wait3A_62 = tpu.memref_slice %arg7[%dma_wait3A_60, %dma_wait3A_61] : memref<10112x128xf32, #tpu.memory_space<vmem_shared>> -> memref<10112x128xf32, #tpu.memory_space<vmem_shared>>
        tpu.wait_indirect_dma semaphore(%run_scoped3A : memref<!tpu.dma_semaphore, #tpu.memory_space<semaphore_mem>>) src(%arg11 : memref<128x128xf32, #tpu.memory_space<vmem>>) dst(%dma_wait3A_62 : memref<10112x128xf32, #tpu.memory_space<vmem_shared>>)
        tpu.yield
      }) : () -> ()
      %add3A_44 = arith.constant 3 : i32
      %add3A_45 = arith.addi %mul3A_24, %add3A_44 : i32
      %lt3A_46 = arith.constant 40 : i32
      %lt3A_47 = arith.cmpi slt, %add3A_45, %lt3A_46 : i32
      %convert_element_type3A_48 = arith.extui %lt3A_47 : i1 to i32
      %cond3A_49 = arith.constant 0 : i32
      %cond3A_50 = arith.cmpi ne, %convert_element_type3A_48, %cond3A_49 : i32
      scf.if %cond3A_50 {
        %add3A_51 = arith.constant 3 : i32
        %add3A_52 = arith.addi %mul3A_24, %add3A_51 : i32
        %dma_start3A_53 = arith.constant 0 : i32
        %dma_start3A_54 = tpu.memref_slice %arg8[%add3A_52, %dma_start3A_53] : memref<40x128xi32, #tpu.memory_space<vmem>> -> memref<1x128xi32, #tpu.memory_space<vmem>>
        %dma_start3A_55 = tpu.memref_squeeze %dma_start3A_54 : memref<1x128xi32, #tpu.memory_space<vmem>> -> memref<128xi32, #tpu.memory_space<vmem>>
        %dma_start3A_56 = arith.constant 0 : i32
        %dma_start3A_57 = arith.constant 0 : i32
        %dma_start3A_58 = tpu.memref_slice %arg2[%dma_start3A_56, %dma_start3A_57] : memref<10000x128xf32, #tpu.memory_space<hbm>> -> memref<10000x128xf32, #tpu.memory_space<hbm>>
        tpu.enqueue_indirect_dma source(%dma_start3A_58 : memref<10000x128xf32, #tpu.memory_space<hbm>>) target(%arg11 : memref<128x128xf32, #tpu.memory_space<vmem>>) offsets(%dma_start3A_55 : memref<128xi32, #tpu.memory_space<vmem>>) semaphore(%arg13 : memref<!tpu.dma_semaphore, #tpu.memory_space<semaphore_mem>>)
      } else {
      }
    }
    %scan3A_20 = arith.constant 20 : i32
    %barrier3A_21 = arith.constant 0 : index
    tpu.barrier barrier_id(%barrier3A_21)
    "tpu.region"() ({
      %run_scoped3A = tpu.sem_alloc : memref<!tpu.dma_semaphore, #tpu.memory_space<semaphore_mem>>
      %dma_start3A_22 = arith.constant 0 : i32
      %dma_start3A_23 = tpu.memref_slice %arg6[%arg0, %multiple_of3A, %dma_start3A_22] : memref<2x10112x128xf32, #tpu.memory_space<hbm>> -> memref<1x632x128xf32, #tpu.memory_space<hbm>>
      %dma_start3A_24 = tpu.memref_squeeze %dma_start3A_23 : memref<1x632x128xf32, #tpu.memory_space<hbm>> -> memref<632x128xf32, #tpu.memory_space<hbm>>
      %dma_start3A_25 = arith.constant 0 : i32
      %dma_start3A_26 = tpu.memref_slice %arg7[%multiple_of3A, %dma_start3A_25] : memref<10112x128xf32, #tpu.memory_space<vmem_shared>> -> memref<632x128xf32, #tpu.memory_space<vmem_shared>>
      tpu.enqueue_dma source(%dma_start3A_26 : memref<632x128xf32, #tpu.memory_space<vmem_shared>>) target(%dma_start3A_24 : memref<632x128xf32, #tpu.memory_space<hbm>>) target_semaphore(%run_scoped3A : memref<!tpu.dma_semaphore, #tpu.memory_space<semaphore_mem>>)
      %dma_wait3A = arith.constant 0 : i32
      %dma_wait3A_27 = tpu.memref_slice %arg6[%arg0, %multiple_of3A, %dma_wait3A] : memref<2x10112x128xf32, #tpu.memory_space<hbm>> -> memref<1x632x128xf32, #tpu.memory_space<hbm>>
      %dma_wait3A_28 = tpu.memref_squeeze %dma_wait3A_27 : memref<1x632x128xf32, #tpu.memory_space<hbm>> -> memref<632x128xf32, #tpu.memory_space<hbm>>
      %dma_wait3A_29 = arith.constant 0 : i32
      %dma_wait3A_30 = tpu.memref_slice %arg7[%multiple_of3A, %dma_wait3A_29] : memref<10112x128xf32, #tpu.memory_space<vmem_shared>> -> memref<632x128xf32, #tpu.memory_space<vmem_shared>>
      tpu.wait_dma2 semaphore(%run_scoped3A : memref<!tpu.dma_semaphore, #tpu.memory_space<semaphore_mem>>) src(%dma_wait3A_30 : memref<632x128xf32, #tpu.memory_space<vmem_shared>>) dst(%dma_wait3A_28 : memref<632x128xf32, #tpu.memory_space<hbm>>)
      tpu.yield
    }) : () -> ()
    return
  }
}

#map = affine_map<(d0, d1) -> (0, 0)>
#map1 = affine_map<(d0, d1) -> (0, 0, 0)>
module attributes {stable_mosaic.version = 14 : i64} {
  func.func @segsum(%arg0: i32, %arg1: i32, %arg2: memref<10000x128xf32, #tpu.memory_space<hbm>>, %arg3: memref<32x40x128xi32, #tpu.memory_space<hbm>>, %arg4: memref<32x40x128xi32, #tpu.memory_space<hbm>>, %arg5: memref<10112x128xf32, #tpu.memory_space<hbm>>, %arg6: memref<2x10112x128xf32, #tpu.memory_space<hbm>>, %arg7: memref<10112x128xf32, #tpu.memory_space<vmem_shared>>, %arg8: memref<40x128xi32, #tpu.memory_space<vmem>>, %arg9: memref<40x128xi32, #tpu.memory_space<vmem>>, %arg10: memref<128x128xf32, #tpu.memory_space<vmem>>, %arg11: memref<128x128xf32, #tpu.memory_space<vmem>>, %arg12: memref<!tpu.dma_semaphore, #tpu.memory_space<semaphore_mem>>, %arg13: memref<!tpu.dma_semaphore, #tpu.memory_space<semaphore_mem>>) attributes {dimension_semantics = [#tpu.dimension_semantics<core_parallel>, #tpu.dimension_semantics<subcore_parallel>], iteration_bounds = array<i64: 2, 16>, scalar_prefetch = 0 : i64, scratch_operands = 7 : i64, tpu.core_type = #tpu.core_type<sc_vector_subcore>, window_params = [{transform_indices = #map}, {transform_indices = #map1}, {transform_indices = #map1}, {transform_indices = #map}, {transform_indices = #map1}]} {
    %mul3A = arith.constant 2 : i32
    %mul3A_0 = arith.muli %arg1, %mul3A : i32
    %add3A = arith.addi %mul3A_0, %arg0 : i32
    %mul3A_1 = arith.constant 632 : i32
    %mul3A_2 = arith.muli %arg1, %mul3A_1 : i32
    %multiple_of3A = tpu.assume_multiple %mul3A_2, 8 : i32
    "tpu.region"() ({
      %run_scoped3A = tpu.sem_alloc : memref<!tpu.dma_semaphore, #tpu.memory_space<semaphore_mem>>
      %dma_start3A_22 = arith.constant 0 : i32
      %dma_start3A_23 = arith.constant 0 : i32
      %dma_start3A_24 = tpu.memref_slice %arg3[%add3A, %dma_start3A_22, %dma_start3A_23] : memref<32x40x128xi32, #tpu.memory_space<hbm>> -> memref<1x40x128xi32, #tpu.memory_space<hbm>>
      %dma_start3A_25 = tpu.memref_squeeze %dma_start3A_24 : memref<1x40x128xi32, #tpu.memory_space<hbm>> -> memref<40x128xi32, #tpu.memory_space<hbm>>
      %dma_start3A_26 = arith.constant 0 : i32
      %dma_start3A_27 = arith.constant 0 : i32
      %dma_start3A_28 = tpu.memref_slice %arg3[%add3A, %dma_start3A_26, %dma_start3A_27] : memref<32x40x128xi32, #tpu.memory_space<hbm>> -> memref<1x40x128xi32, #tpu.memory_space<hbm>>
      %dma_start3A_29 = tpu.memref_squeeze %dma_start3A_28 : memref<1x40x128xi32, #tpu.memory_space<hbm>> -> memref<40x128xi32, #tpu.memory_space<hbm>>
      tpu.enqueue_dma source(%dma_start3A_29 : memref<40x128xi32, #tpu.memory_space<hbm>>) target(%arg8 : memref<40x128xi32, #tpu.memory_space<vmem>>) target_semaphore(%run_scoped3A : memref<!tpu.dma_semaphore, #tpu.memory_space<semaphore_mem>>)
      %dma_wait3A = arith.constant 0 : i32
      %dma_wait3A_30 = arith.constant 0 : i32
      %dma_wait3A_31 = tpu.memref_slice %arg3[%add3A, %dma_wait3A, %dma_wait3A_30] : memref<32x40x128xi32, #tpu.memory_space<hbm>> -> memref<1x40x128xi32, #tpu.memory_space<hbm>>
      %dma_wait3A_32 = tpu.memref_squeeze %dma_wait3A_31 : memref<1x40x128xi32, #tpu.memory_space<hbm>> -> memref<40x128xi32, #tpu.memory_space<hbm>>
      %dma_wait3A_33 = arith.constant 0 : i32
      %dma_wait3A_34 = arith.constant 0 : i32
      %dma_wait3A_35 = tpu.memref_slice %arg3[%add3A, %dma_wait3A_33, %dma_wait3A_34] : memref<32x40x128xi32, #tpu.memory_space<hbm>> -> memref<1x40x128xi32, #tpu.memory_space<hbm>>
      %dma_wait3A_36 = tpu.memref_squeeze %dma_wait3A_35 : memref<1x40x128xi32, #tpu.memory_space<hbm>> -> memref<40x128xi32, #tpu.memory_space<hbm>>
      tpu.wait_dma2 semaphore(%run_scoped3A : memref<!tpu.dma_semaphore, #tpu.memory_space<semaphore_mem>>) src(%dma_wait3A_36 : memref<40x128xi32, #tpu.memory_space<hbm>>) dst(%arg8 : memref<40x128xi32, #tpu.memory_space<vmem>>)
      tpu.yield
    }) : () -> ()
    "tpu.region"() ({
      %run_scoped3A = tpu.sem_alloc : memref<!tpu.dma_semaphore, #tpu.memory_space<semaphore_mem>>
      %dma_start3A_22 = arith.constant 0 : i32
      %dma_start3A_23 = arith.constant 0 : i32
      %dma_start3A_24 = tpu.memref_slice %arg4[%add3A, %dma_start3A_22, %dma_start3A_23] : memref<32x40x128xi32, #tpu.memory_space<hbm>> -> memref<1x40x128xi32, #tpu.memory_space<hbm>>
      %dma_start3A_25 = tpu.memref_squeeze %dma_start3A_24 : memref<1x40x128xi32, #tpu.memory_space<hbm>> -> memref<40x128xi32, #tpu.memory_space<hbm>>
      %dma_start3A_26 = arith.constant 0 : i32
      %dma_start3A_27 = arith.constant 0 : i32
      %dma_start3A_28 = tpu.memref_slice %arg4[%add3A, %dma_start3A_26, %dma_start3A_27] : memref<32x40x128xi32, #tpu.memory_space<hbm>> -> memref<1x40x128xi32, #tpu.memory_space<hbm>>
      %dma_start3A_29 = tpu.memref_squeeze %dma_start3A_28 : memref<1x40x128xi32, #tpu.memory_space<hbm>> -> memref<40x128xi32, #tpu.memory_space<hbm>>
      tpu.enqueue_dma source(%dma_start3A_29 : memref<40x128xi32, #tpu.memory_space<hbm>>) target(%arg9 : memref<40x128xi32, #tpu.memory_space<vmem>>) target_semaphore(%run_scoped3A : memref<!tpu.dma_semaphore, #tpu.memory_space<semaphore_mem>>)
      %dma_wait3A = arith.constant 0 : i32
      %dma_wait3A_30 = arith.constant 0 : i32
      %dma_wait3A_31 = tpu.memref_slice %arg4[%add3A, %dma_wait3A, %dma_wait3A_30] : memref<32x40x128xi32, #tpu.memory_space<hbm>> -> memref<1x40x128xi32, #tpu.memory_space<hbm>>
      %dma_wait3A_32 = tpu.memref_squeeze %dma_wait3A_31 : memref<1x40x128xi32, #tpu.memory_space<hbm>> -> memref<40x128xi32, #tpu.memory_space<hbm>>
      %dma_wait3A_33 = arith.constant 0 : i32
      %dma_wait3A_34 = arith.constant 0 : i32
      %dma_wait3A_35 = tpu.memref_slice %arg4[%add3A, %dma_wait3A_33, %dma_wait3A_34] : memref<32x40x128xi32, #tpu.memory_space<hbm>> -> memref<1x40x128xi32, #tpu.memory_space<hbm>>
      %dma_wait3A_36 = tpu.memref_squeeze %dma_wait3A_35 : memref<1x40x128xi32, #tpu.memory_space<hbm>> -> memref<40x128xi32, #tpu.memory_space<hbm>>
      tpu.wait_dma2 semaphore(%run_scoped3A : memref<!tpu.dma_semaphore, #tpu.memory_space<semaphore_mem>>) src(%dma_wait3A_36 : memref<40x128xi32, #tpu.memory_space<hbm>>) dst(%arg9 : memref<40x128xi32, #tpu.memory_space<vmem>>)
      tpu.yield
    }) : () -> ()
    "tpu.region"() ({
      %run_scoped3A = tpu.sem_alloc : memref<!tpu.dma_semaphore, #tpu.memory_space<semaphore_mem>>
      %dma_start3A_22 = arith.constant 0 : i32
      %dma_start3A_23 = tpu.memref_slice %arg7[%multiple_of3A, %dma_start3A_22] : memref<10112x128xf32, #tpu.memory_space<vmem_shared>> -> memref<632x128xf32, #tpu.memory_space<vmem_shared>>
      %dma_start3A_24 = arith.constant 0 : i32
      %dma_start3A_25 = tpu.memref_slice %arg5[%multiple_of3A, %dma_start3A_24] : memref<10112x128xf32, #tpu.memory_space<hbm>> -> memref<632x128xf32, #tpu.memory_space<hbm>>
      tpu.enqueue_dma source(%dma_start3A_25 : memref<632x128xf32, #tpu.memory_space<hbm>>) target(%dma_start3A_23 : memref<632x128xf32, #tpu.memory_space<vmem_shared>>) target_semaphore(%run_scoped3A : memref<!tpu.dma_semaphore, #tpu.memory_space<semaphore_mem>>)
      %dma_wait3A = arith.constant 0 : i32
      %dma_wait3A_26 = tpu.memref_slice %arg7[%multiple_of3A, %dma_wait3A] : memref<10112x128xf32, #tpu.memory_space<vmem_shared>> -> memref<632x128xf32, #tpu.memory_space<vmem_shared>>
      %dma_wait3A_27 = arith.constant 0 : i32
      %dma_wait3A_28 = tpu.memref_slice %arg5[%multiple_of3A, %dma_wait3A_27] : memref<10112x128xf32, #tpu.memory_space<hbm>> -> memref<632x128xf32, #tpu.memory_space<hbm>>
      tpu.wait_dma2 semaphore(%run_scoped3A : memref<!tpu.dma_semaphore, #tpu.memory_space<semaphore_mem>>) src(%dma_wait3A_28 : memref<632x128xf32, #tpu.memory_space<hbm>>) dst(%dma_wait3A_26 : memref<632x128xf32, #tpu.memory_space<vmem_shared>>)
      tpu.yield
    }) : () -> ()
    %barrier3A = arith.constant 0 : index
    tpu.barrier barrier_id(%barrier3A)
    %dma_start3A = arith.constant 0 : i32
    %dma_start3A_3 = arith.constant 0 : i32
    %dma_start3A_4 = tpu.memref_slice %arg8[%dma_start3A, %dma_start3A_3] : memref<40x128xi32, #tpu.memory_space<vmem>> -> memref<1x128xi32, #tpu.memory_space<vmem>>
    %dma_start3A_5 = tpu.memref_squeeze %dma_start3A_4 : memref<1x128xi32, #tpu.memory_space<vmem>> -> memref<128xi32, #tpu.memory_space<vmem>>
    %dma_start3A_6 = arith.constant 0 : i32
    %dma_start3A_7 = arith.constant 0 : i32
    %dma_start3A_8 = tpu.memref_slice %arg2[%dma_start3A_6, %dma_start3A_7] : memref<10000x128xf32, #tpu.memory_space<hbm>> -> memref<10000x128xf32, #tpu.memory_space<hbm>>
    tpu.enqueue_indirect_dma source(%dma_start3A_8 : memref<10000x128xf32, #tpu.memory_space<hbm>>) target(%arg10 : memref<128x128xf32, #tpu.memory_space<vmem>>) offsets(%dma_start3A_5 : memref<128xi32, #tpu.memory_space<vmem>>) semaphore(%arg12 : memref<!tpu.dma_semaphore, #tpu.memory_space<semaphore_mem>>)
    %dma_start3A_9 = arith.constant 1 : i32
    %dma_start3A_10 = arith.constant 0 : i32
    %dma_start3A_11 = tpu.memref_slice %arg8[%dma_start3A_9, %dma_start3A_10] : memref<40x128xi32, #tpu.memory_space<vmem>> -> memref<1x128xi32, #tpu.memory_space<vmem>>
    %dma_start3A_12 = tpu.memref_squeeze %dma_start3A_11 : memref<1x128xi32, #tpu.memory_space<vmem>> -> memref<128xi32, #tpu.memory_space<vmem>>
    %dma_start3A_13 = arith.constant 0 : i32
    %dma_start3A_14 = arith.constant 0 : i32
    %dma_start3A_15 = tpu.memref_slice %arg2[%dma_start3A_13, %dma_start3A_14] : memref<10000x128xf32, #tpu.memory_space<hbm>> -> memref<10000x128xf32, #tpu.memory_space<hbm>>
    tpu.enqueue_indirect_dma source(%dma_start3A_15 : memref<10000x128xf32, #tpu.memory_space<hbm>>) target(%arg11 : memref<128x128xf32, #tpu.memory_space<vmem>>) offsets(%dma_start3A_12 : memref<128xi32, #tpu.memory_space<vmem>>) semaphore(%arg13 : memref<!tpu.dma_semaphore, #tpu.memory_space<semaphore_mem>>)
    %scan3A = arith.constant 0 : i32
    %scan3A_16 = arith.constant 0 : i32
    %scan3A_17 = arith.constant 20 : i32
    %scan3A_18 = arith.addi %scan3A_16, %scan3A_17 : i32
    %scan3A_19 = arith.constant 1 : i32
    scf.for %scan3A_22 = %scan3A_16 to %scan3A_18 step %scan3A_19  : i32 {
      %mul3A_23 = arith.constant 2 : i32
      %mul3A_24 = arith.muli %scan3A_22, %mul3A_23 : i32
      %dma_wait3A = arith.constant 0 : i32
      %dma_wait3A_25 = arith.constant 0 : i32
      %dma_wait3A_26 = tpu.memref_slice %arg8[%dma_wait3A, %dma_wait3A_25] : memref<40x128xi32, #tpu.memory_space<vmem>> -> memref<1x128xi32, #tpu.memory_space<vmem>>
      %dma_wait3A_27 = tpu.memref_squeeze %dma_wait3A_26 : memref<1x128xi32, #tpu.memory_space<vmem>> -> memref<128xi32, #tpu.memory_space<vmem>>
      %dma_wait3A_28 = arith.constant 0 : i32
      %dma_wait3A_29 = arith.constant 0 : i32
      %dma_wait3A_30 = tpu.memref_slice %arg2[%dma_wait3A_28, %dma_wait3A_29] : memref<10000x128xf32, #tpu.memory_space<hbm>> -> memref<10000x128xf32, #tpu.memory_space<hbm>>
      tpu.wait_indirect_dma semaphore(%arg12 : memref<!tpu.dma_semaphore, #tpu.memory_space<semaphore_mem>>) src(%dma_wait3A_30 : memref<10000x128xf32, #tpu.memory_space<hbm>>) dst(%arg10 : memref<128x128xf32, #tpu.memory_space<vmem>>)
      "tpu.region"() ({
        %run_scoped3A = tpu.sem_alloc : memref<!tpu.dma_semaphore, #tpu.memory_space<semaphore_mem>>
        %dma_start3A_51 = arith.constant 0 : i32
        %dma_start3A_52 = tpu.memref_slice %arg9[%mul3A_24, %dma_start3A_51] : memref<40x128xi32, #tpu.memory_space<vmem>> -> memref<1x128xi32, #tpu.memory_space<vmem>>
        %dma_start3A_53 = tpu.memref_squeeze %dma_start3A_52 : memref<1x128xi32, #tpu.memory_space<vmem>> -> memref<128xi32, #tpu.memory_space<vmem>>
        %dma_start3A_54 = arith.constant 0 : i32
        %dma_start3A_55 = arith.constant 0 : i32
        %dma_start3A_56 = tpu.memref_slice %arg7[%dma_start3A_54, %dma_start3A_55] : memref<10112x128xf32, #tpu.memory_space<vmem_shared>> -> memref<10112x128xf32, #tpu.memory_space<vmem_shared>>
        tpu.enqueue_indirect_dma source(%arg10 : memref<128x128xf32, #tpu.memory_space<vmem>>) target(%dma_start3A_56 : memref<10112x128xf32, #tpu.memory_space<vmem_shared>>) offsets(%dma_start3A_53 : memref<128xi32, #tpu.memory_space<vmem>>) semaphore(%run_scoped3A : memref<!tpu.dma_semaphore, #tpu.memory_space<semaphore_mem>>) {add = true}
        %dma_wait3A_57 = arith.constant 0 : i32
        %dma_wait3A_58 = tpu.memref_slice %arg9[%mul3A_24, %dma_wait3A_57] : memref<40x128xi32, #tpu.memory_space<vmem>> -> memref<1x128xi32, #tpu.memory_space<vmem>>
        %dma_wait3A_59 = tpu.memref_squeeze %dma_wait3A_58 : memref<1x128xi32, #tpu.memory_space<vmem>> -> memref<128xi32, #tpu.memory_space<vmem>>
        %dma_wait3A_60 = arith.constant 0 : i32
        %dma_wait3A_61 = arith.constant 0 : i32
        %dma_wait3A_62 = tpu.memref_slice %arg7[%dma_wait3A_60, %dma_wait3A_61] : memref<10112x128xf32, #tpu.memory_space<vmem_shared>> -> memref<10112x128xf32, #tpu.memory_space<vmem_shared>>
        tpu.wait_indirect_dma semaphore(%run_scoped3A : memref<!tpu.dma_semaphore, #tpu.memory_space<semaphore_mem>>) src(%arg10 : memref<128x128xf32, #tpu.memory_space<vmem>>) dst(%dma_wait3A_62 : memref<10112x128xf32, #tpu.memory_space<vmem_shared>>)
        tpu.yield
      }) : () -> ()
      %add3A_31 = arith.constant 2 : i32
      %add3A_32 = arith.addi %mul3A_24, %add3A_31 : i32
      %lt3A = arith.constant 40 : i32
      %lt3A_33 = arith.cmpi slt, %add3A_32, %lt3A : i32
      %convert_element_type3A = arith.extui %lt3A_33 : i1 to i32
      %cond3A = arith.constant 0 : i32
      %cond3A_34 = arith.cmpi ne, %convert_element_type3A, %cond3A : i32
      scf.if %cond3A_34 {
        %add3A_51 = arith.constant 2 : i32
        %add3A_52 = arith.addi %mul3A_24, %add3A_51 : i32
        %dma_start3A_53 = arith.constant 0 : i32
        %dma_start3A_54 = tpu.memref_slice %arg8[%add3A_52, %dma_start3A_53] : memref<40x128xi32, #tpu.memory_space<vmem>> -> memref<1x128xi32, #tpu.memory_space<vmem>>
        %dma_start3A_55 = tpu.memref_squeeze %dma_start3A_54 : memref<1x128xi32, #tpu.memory_space<vmem>> -> memref<128xi32, #tpu.memory_space<vmem>>
        %dma_start3A_56 = arith.constant 0 : i32
        %dma_start3A_57 = arith.constant 0 : i32
        %dma_start3A_58 = tpu.memref_slice %arg2[%dma_start3A_56, %dma_start3A_57] : memref<10000x128xf32, #tpu.memory_space<hbm>> -> memref<10000x128xf32, #tpu.memory_space<hbm>>
        tpu.enqueue_indirect_dma source(%dma_start3A_58 : memref<10000x128xf32, #tpu.memory_space<hbm>>) target(%arg10 : memref<128x128xf32, #tpu.memory_space<vmem>>) offsets(%dma_start3A_55 : memref<128xi32, #tpu.memory_space<vmem>>) semaphore(%arg12 : memref<!tpu.dma_semaphore, #tpu.memory_space<semaphore_mem>>)
      } else {
      }
      %dma_wait3A_35 = arith.constant 0 : i32
      %dma_wait3A_36 = arith.constant 0 : i32
      %dma_wait3A_37 = tpu.memref_slice %arg8[%dma_wait3A_35, %dma_wait3A_36] : memref<40x128xi32, #tpu.memory_space<vmem>> -> memref<1x128xi32, #tpu.memory_space<vmem>>
      %dma_wait3A_38 = tpu.memref_squeeze %dma_wait3A_37 : memref<1x128xi32, #tpu.memory_space<vmem>> -> memref<128xi32, #tpu.memory_space<vmem>>
      %dma_wait3A_39 = arith.constant 0 : i32
      %dma_wait3A_40 = arith.constant 0 : i32
      %dma_wait3A_41 = tpu.memref_slice %arg2[%dma_wait3A_39, %dma_wait3A_40] : memref<10000x128xf32, #tpu.memory_space<hbm>> -> memref<10000x128xf32, #tpu.memory_space<hbm>>
      tpu.wait_indirect_dma semaphore(%arg13 : memref<!tpu.dma_semaphore, #tpu.memory_space<semaphore_mem>>) src(%dma_wait3A_41 : memref<10000x128xf32, #tpu.memory_space<hbm>>) dst(%arg11 : memref<128x128xf32, #tpu.memory_space<vmem>>)
      %add3A_42 = arith.constant 1 : i32
      %add3A_43 = arith.addi %mul3A_24, %add3A_42 : i32
      "tpu.region"() ({
        %run_scoped3A = tpu.sem_alloc : memref<!tpu.dma_semaphore, #tpu.memory_space<semaphore_mem>>
        %dma_start3A_51 = arith.constant 0 : i32
        %dma_start3A_52 = tpu.memref_slice %arg9[%add3A_43, %dma_start3A_51] : memref<40x128xi32, #tpu.memory_space<vmem>> -> memref<1x128xi32, #tpu.memory_space<vmem>>
        %dma_start3A_53 = tpu.memref_squeeze %dma_start3A_52 : memref<1x128xi32, #tpu.memory_space<vmem>> -> memref<128xi32, #tpu.memory_space<vmem>>
        %dma_start3A_54 = arith.constant 0 : i32
        %dma_start3A_55 = arith.constant 0 : i32
        %dma_start3A_56 = tpu.memref_slice %arg7[%dma_start3A_54, %dma_start3A_55] : memref<10112x128xf32, #tpu.memory_space<vmem_shared>> -> memref<10112x128xf32, #tpu.memory_space<vmem_shared>>
        tpu.enqueue_indirect_dma source(%arg11 : memref<128x128xf32, #tpu.memory_space<vmem>>) target(%dma_start3A_56 : memref<10112x128xf32, #tpu.memory_space<vmem_shared>>) offsets(%dma_start3A_53 : memref<128xi32, #tpu.memory_space<vmem>>) semaphore(%run_scoped3A : memref<!tpu.dma_semaphore, #tpu.memory_space<semaphore_mem>>) {add = true}
        %dma_wait3A_57 = arith.constant 0 : i32
        %dma_wait3A_58 = tpu.memref_slice %arg9[%add3A_43, %dma_wait3A_57] : memref<40x128xi32, #tpu.memory_space<vmem>> -> memref<1x128xi32, #tpu.memory_space<vmem>>
        %dma_wait3A_59 = tpu.memref_squeeze %dma_wait3A_58 : memref<1x128xi32, #tpu.memory_space<vmem>> -> memref<128xi32, #tpu.memory_space<vmem>>
        %dma_wait3A_60 = arith.constant 0 : i32
        %dma_wait3A_61 = arith.constant 0 : i32
        %dma_wait3A_62 = tpu.memref_slice %arg7[%dma_wait3A_60, %dma_wait3A_61] : memref<10112x128xf32, #tpu.memory_space<vmem_shared>> -> memref<10112x128xf32, #tpu.memory_space<vmem_shared>>
        tpu.wait_indirect_dma semaphore(%run_scoped3A : memref<!tpu.dma_semaphore, #tpu.memory_space<semaphore_mem>>) src(%arg11 : memref<128x128xf32, #tpu.memory_space<vmem>>) dst(%dma_wait3A_62 : memref<10112x128xf32, #tpu.memory_space<vmem_shared>>)
        tpu.yield
      }) : () -> ()
      %add3A_44 = arith.constant 3 : i32
      %add3A_45 = arith.addi %mul3A_24, %add3A_44 : i32
      %lt3A_46 = arith.constant 40 : i32
      %lt3A_47 = arith.cmpi slt, %add3A_45, %lt3A_46 : i32
      %convert_element_type3A_48 = arith.extui %lt3A_47 : i1 to i32
      %cond3A_49 = arith.constant 0 : i32
      %cond3A_50 = arith.cmpi ne, %convert_element_type3A_48, %cond3A_49 : i32
      scf.if %cond3A_50 {
        %add3A_51 = arith.constant 3 : i32
        %add3A_52 = arith.addi %mul3A_24, %add3A_51 : i32
        %dma_start3A_53 = arith.constant 0 : i32
        %dma_start3A_54 = tpu.memref_slice %arg8[%add3A_52, %dma_start3A_53] : memref<40x128xi32, #tpu.memory_space<vmem>> -> memref<1x128xi32, #tpu.memory_space<vmem>>
        %dma_start3A_55 = tpu.memref_squeeze %dma_start3A_54 : memref<1x128xi32, #tpu.memory_space<vmem>> -> memref<128xi32, #tpu.memory_space<vmem>>
        %dma_start3A_56 = arith.constant 0 : i32
        %dma_start3A_57 = arith.constant 0 : i32
        %dma_start3A_58 = tpu.memref_slice %arg2[%dma_start3A_56, %dma_start3A_57] : memref<10000x128xf32, #tpu.memory_space<hbm>> -> memref<10000x128xf32, #tpu.memory_space<hbm>>
        tpu.enqueue_indirect_dma source(%dma_start3A_58 : memref<10000x128xf32, #tpu.memory_space<hbm>>) target(%arg11 : memref<128x128xf32, #tpu.memory_space<vmem>>) offsets(%dma_start3A_55 : memref<128xi32, #tpu.memory_space<vmem>>) semaphore(%arg13 : memref<!tpu.dma_semaphore, #tpu.memory_space<semaphore_mem>>)
      } else {
      }
    }
    %scan3A_20 = arith.constant 20 : i32
    %barrier3A_21 = arith.constant 0 : index
    tpu.barrier barrier_id(%barrier3A_21)
    "tpu.region"() ({
      %run_scoped3A = tpu.sem_alloc : memref<!tpu.dma_semaphore, #tpu.memory_space<semaphore_mem>>
      %dma_start3A_22 = arith.constant 0 : i32
      %dma_start3A_23 = tpu.memref_slice %arg6[%arg0, %multiple_of3A, %dma_start3A_22] : memref<2x10112x128xf32, #tpu.memory_space<hbm>> -> memref<1x632x128xf32, #tpu.memory_space<hbm>>
      %dma_start3A_24 = tpu.memref_squeeze %dma_start3A_23 : memref<1x632x128xf32, #tpu.memory_space<hbm>> -> memref<632x128xf32, #tpu.memory_space<hbm>>
      %dma_start3A_25 = arith.constant 0 : i32
      %dma_start3A_26 = tpu.memref_slice %arg7[%multiple_of3A, %dma_start3A_25] : memref<10112x128xf32, #tpu.memory_space<vmem_shared>> -> memref<632x128xf32, #tpu.memory_space<vmem_shared>>
      tpu.enqueue_dma source(%dma_start3A_26 : memref<632x128xf32, #tpu.memory_space<vmem_shared>>) target(%dma_start3A_24 : memref<632x128xf32, #tpu.memory_space<hbm>>) target_semaphore(%run_scoped3A : memref<!tpu.dma_semaphore, #tpu.memory_space<semaphore_mem>>)
      %dma_wait3A = arith.constant 0 : i32
      %dma_wait3A_27 = tpu.memref_slice %arg6[%arg0, %multiple_of3A, %dma_wait3A] : memref<2x10112x128xf32, #tpu.memory_space<hbm>> -> memref<1x632x128xf32, #tpu.memory_space<hbm>>
      %dma_wait3A_28 = tpu.memref_squeeze %dma_wait3A_27 : memref<1x632x128xf32, #tpu.memory_space<hbm>> -> memref<632x128xf32, #tpu.memory_space<hbm>>
      %dma_wait3A_29 = arith.constant 0 : i32
      %dma_wait3A_30 = tpu.memref_slice %arg7[%multiple_of3A, %dma_wait3A_29] : memref<10112x128xf32, #tpu.memory_space<vmem_shared>> -> memref<632x128xf32, #tpu.memory_space<vmem_shared>>
      tpu.wait_dma2 semaphore(%run_scoped3A : memref<!tpu.dma_semaphore, #tpu.memory_space<semaphore_mem>>) src(%dma_wait3A_30 : memref<632x128xf32, #tpu.memory_space<vmem_shared>>) dst(%dma_wait3A_28 : memref<632x128xf32, #tpu.memory_space<hbm>>)
      tpu.yield
    }) : () -> ()
    return
  }
}

module attributes {stable_mosaic.version = 14 : i64} {
  func.func @_k2_body(%arg0: i32, %arg1: memref<1x10000x128xf32, #tpu.memory_space<vmem>>, %arg2: memref<1x10000x128xf32, #tpu.memory_space<vmem>>, %arg3: memref<10000x128xf32, #tpu.memory_space<vmem>>) attributes {dimension_semantics = [#tpu.dimension_semantics<arbitrary>], iteration_bounds = array<i64: 1>, scalar_prefetch = 0 : i64, scratch_operands = 0 : i64, tpu.core_type = #tpu.core_type<tc>, window_params = [{transform_indices = @transform_0, window_bounds = array<i64: 1, 10000, 128>}, {transform_indices = @transform_1, window_bounds = array<i64: 1, 10000, 128>}, {pipeline_mode = #tpu.pipeline_mode<synchronous>, transform_indices = @transform_2, window_bounds = array<i64: 10000, 128>}]} {
    %get3A = arith.constant 0 : index
    %get3A_0 = arith.constant 0 : index
    %get3A_1 = arith.constant 0 : index
    %get3A_2 = vector.load %arg1[%get3A, %get3A_0, %get3A_1] : memref<1x10000x128xf32, #tpu.memory_space<vmem>>, vector<1x10000x128xf32>
    %get3A_3 = vector.shape_cast %get3A_2 : vector<1x10000x128xf32> to vector<10000x128xf32>
    %get3A_4 = arith.constant 0 : index
    %get3A_5 = arith.constant 0 : index
    %get3A_6 = arith.constant 0 : index
    %get3A_7 = vector.load %arg2[%get3A_4, %get3A_5, %get3A_6] : memref<1x10000x128xf32, #tpu.memory_space<vmem>>, vector<1x10000x128xf32>
    %get3A_8 = vector.shape_cast %get3A_7 : vector<1x10000x128xf32> to vector<10000x128xf32>
    %add3A = arith.addf %get3A_3, %get3A_8 : vector<10000x128xf32>
    %max3A = arith.constant 0.000000e+00 : f32
    %max3A_9 = vector.broadcast %max3A : f32 to vector<10000x128xf32>
    %max3A_10 = arith.maximumf %add3A, %max3A_9 : vector<10000x128xf32>
    %swap3A = arith.constant 0 : index
    %swap3A_11 = arith.constant 0 : index
    %swap3A_12 = vector.load %arg3[%swap3A, %swap3A_11] : memref<10000x128xf32, #tpu.memory_space<vmem>>, vector<10000x128xf32>
    tpu.vector_store %arg3[%swap3A, %swap3A_11], %max3A_10 {strides = array<i32>} : memref<10000x128xf32, #tpu.memory_space<vmem>>, vector<10000x128xf32>,
    return
  }
  func.func @transform_0(%arg0: i32) -> (i32, i32, i32) {
    %c0_i32 = arith.constant 0 : i32
    %c0_i32_0 = arith.constant 0 : i32
    %c0_i32_1 = arith.constant 0 : i32
    %c0_i32_2 = arith.constant 0 : i32
    return %c0_i32, %c0_i32_0, %c0_i32_1 : i32, i32, i32
  }
  func.func @transform_1(%arg0: i32) -> (i32, i32, i32) {
    %c1_i32 = arith.constant 1 : i32
    %c0_i32 = arith.constant 0 : i32
    %c0_i32_0 = arith.constant 0 : i32
    %c0_i32_1 = arith.constant 0 : i32
    return %c1_i32, %c0_i32, %c0_i32_0 : i32, i32, i32
  }
  func.func @transform_2(%arg0: i32) -> (i32, i32) {
    %c0_i32 = arith.constant 0 : i32
    %c0_i32_0 = arith.constant 0 : i32
    %c0_i32_1 = arith.constant 0 : i32
    return %c0_i32, %c0_i32_0 : i32, i32
  }
}

module attributes {stable_mosaic.version = 14 : i64} {
  func.func @_k1_body(%arg0: memref<10000x128xf32, #tpu.memory_space<vmem>>, %arg1: memref<128x128xf32, #tpu.memory_space<vmem>>, %arg2: memref<10000x128xf32, #tpu.memory_space<vmem>>) attributes {dimension_semantics = [], scalar_prefetch = 0 : i64, scratch_operands = 0 : i64, tpu.core_type = #tpu.core_type<tc>} {
    %get3A = arith.constant 0 : index
    %get3A_0 = arith.constant 0 : index
    %get3A_1 = vector.load %arg0[%get3A, %get3A_0] : memref<10000x128xf32, #tpu.memory_space<vmem>>, vector<10000x128xf32>
    %get3A_2 = arith.constant 0 : index
    %get3A_3 = arith.constant 0 : index
    %get3A_4 = vector.load %arg1[%get3A_2, %get3A_3] : memref<128x128xf32, #tpu.memory_space<vmem>>, vector<128x128xf32>
    %dot_general3A = arith.constant dense<0.000000e+00> : vector<10000x128xf32>
    %dot_general3A_5 = tpu.matmul %get3A_1, %get3A_4, %dot_general3A {dimension_numbers = #tpu.dot_dimension_numbers<[1], [0], [0], [1], [0, 0, 1, 1], [], []>, transpose_lhs_hint = false} : vector<10000x128xf32>, vector<128x128xf32>, vector<10000x128xf32> -> vector<10000x128xf32>
    %swap3A = arith.constant 0 : index
    %swap3A_6 = arith.constant 0 : index
    %swap3A_7 = vector.load %arg2[%swap3A, %swap3A_6] : memref<10000x128xf32, #tpu.memory_space<vmem>>, vector<10000x128xf32>
    tpu.vector_store %arg2[%swap3A, %swap3A_6], %dot_general3A_5 {strides = array<i32>} : memref<10000x128xf32, #tpu.memory_space<vmem>>, vector<10000x128xf32>,
    return
  }
}

module attributes {stable_mosaic.version = 14 : i64} {
  func.func @_k3_body(%arg0: i32, %arg1: memref<1x10000x128xf32, #tpu.memory_space<vmem>>, %arg2: memref<1x10000x128xf32, #tpu.memory_space<vmem>>, %arg3: memref<128x64xf32, #tpu.memory_space<vmem>>, %arg4: memref<10000x64xf32, #tpu.memory_space<vmem>>, %arg5: memref<10000x64xf32, #tpu.memory_space<vmem>>, %arg6: memref<10000x64xf32, #tpu.memory_space<vmem>>, %arg7: memref<10000x64xf32, #tpu.memory_space<vmem>>, %arg8: memref<10000x128xf32, #tpu.memory_space<vmem>>, %arg9: memref<1x1xf32, #tpu.memory_space<smem>>) attributes {dimension_semantics = [#tpu.dimension_semantics<arbitrary>], iteration_bounds = array<i64: 1>, scalar_prefetch = 0 : i64, scratch_operands = 0 : i64, tpu.core_type = #tpu.core_type<tc>, window_params = [{transform_indices = @transform_0, window_bounds = array<i64: 1, 10000, 128>}, {transform_indices = @transform_1, window_bounds = array<i64: 1, 10000, 128>}, {pipeline_mode = #tpu.pipeline_mode<synchronous>, transform_indices = @transform_2, window_bounds = array<i64: 128, 64>}, {pipeline_mode = #tpu.pipeline_mode<synchronous>, transform_indices = @transform_3, window_bounds = array<i64: 10000, 64>}, {pipeline_mode = #tpu.pipeline_mode<synchronous>, transform_indices = @transform_4, window_bounds = array<i64: 10000, 64>}, {pipeline_mode = #tpu.pipeline_mode<synchronous>, transform_indices = @transform_5, window_bounds = array<i64: 10000, 64>}, {pipeline_mode = #tpu.pipeline_mode<synchronous>, transform_indices = @transform_6, window_bounds = array<i64: 10000, 64>}, {pipeline_mode = #tpu.pipeline_mode<synchronous>, transform_indices = @transform_7, window_bounds = array<i64: 10000, 128>}, {transform_indices = @transform_8, window_bounds = array<i64: 1, 1>}]} {
    %get3A = arith.constant 0 : index
    %get3A_0 = arith.constant 0 : index
    %get3A_1 = arith.constant 0 : index
    %get3A_2 = vector.load %arg1[%get3A, %get3A_0, %get3A_1] : memref<1x10000x128xf32, #tpu.memory_space<vmem>>, vector<1x10000x128xf32>
    %get3A_3 = vector.shape_cast %get3A_2 : vector<1x10000x128xf32> to vector<10000x128xf32>
    %get3A_4 = arith.constant 0 : index
    %get3A_5 = arith.constant 0 : index
    %get3A_6 = arith.constant 0 : index
    %get3A_7 = vector.load %arg2[%get3A_4, %get3A_5, %get3A_6] : memref<1x10000x128xf32, #tpu.memory_space<vmem>>, vector<1x10000x128xf32>
    %get3A_8 = vector.shape_cast %get3A_7 : vector<1x10000x128xf32> to vector<10000x128xf32>
    %add3A = arith.addf %get3A_3, %get3A_8 : vector<10000x128xf32>
    %get3A_9 = arith.constant 0 : index
    %get3A_10 = arith.constant 0 : index
    %get3A_11 = vector.load %arg3[%get3A_9, %get3A_10] : memref<128x64xf32, #tpu.memory_space<vmem>>, vector<128x64xf32>
    %dot_general3A = arith.constant dense<0.000000e+00> : vector<10000x64xf32>
    %dot_general3A_12 = tpu.matmul %add3A, %get3A_11, %dot_general3A {dimension_numbers = #tpu.dot_dimension_numbers<[1], [0], [0], [1], [0, 0, 1, 1], [], []>, transpose_lhs_hint = false} : vector<10000x128xf32>, vector<128x64xf32>, vector<10000x64xf32> -> vector<10000x64xf32>
    %max3A = arith.constant 0.000000e+00 : f32
    %max3A_13 = vector.broadcast %max3A : f32 to vector<10000x64xf32>
    %max3A_14 = arith.maximumf %dot_general3A_12, %max3A_13 : vector<10000x64xf32>
    %get3A_15 = arith.constant 0 : index
    %get3A_16 = arith.constant 0 : index
    %get3A_17 = vector.load %arg4[%get3A_15, %get3A_16] : memref<10000x64xf32, #tpu.memory_space<vmem>>, vector<10000x64xf32>
    %mul3A = arith.mulf %get3A_17, %get3A_17 : vector<10000x64xf32>
    %reduce_sum3A = arith.constant dense<0.000000e+00> : vector<10000xf32>
    %reduce_sum3A_18 = vector.multi_reduction <add>, %mul3A, %reduce_sum3A [1] : vector<10000x64xf32> to vector<10000xf32>
    %broadcast_in_dim3A = vector.shape_cast %reduce_sum3A_18 : vector<10000xf32> to vector<10000x1xf32>
    %sqrt3A = math.sqrt %broadcast_in_dim3A : vector<10000x1xf32>
    %eq3A = arith.constant 0.000000e+00 : f32
    %eq3A_19 = vector.broadcast %eq3A : f32 to vector<10000x1xf32>
    %eq3A_20 = arith.cmpf oeq, %sqrt3A, %eq3A_19 : vector<10000x1xf32>
    %jit3A = arith.constant 1.000000e+00 : f32
    %broadcast_in_dim3A_21 = vector.broadcast %jit3A : f32 to vector<10000x1xf32>
    %select_n3A = arith.select %eq3A_20, %broadcast_in_dim3A_21, %sqrt3A : vector<10000x1xi1>, vector<10000x1xf32>
    %swap3A = arith.constant 0 : index
    %swap3A_22 = arith.constant 0 : index
    %swap3A_23 = vector.load %arg6[%swap3A, %swap3A_22] : memref<10000x64xf32, #tpu.memory_space<vmem>>, vector<10000x64xf32>
    tpu.vector_store %arg6[%swap3A, %swap3A_22], %max3A_14 {strides = array<i32>} : memref<10000x64xf32, #tpu.memory_space<vmem>>, vector<10000x64xf32>,
    %div3A = vector.broadcast %select_n3A : vector<10000x1xf32> to vector<10000x64xf32>
    %div3A_24 = arith.divf %get3A_17, %div3A : vector<10000x64xf32>
    %get3A_25 = arith.constant 0 : index
    %get3A_26 = arith.constant 0 : index
    %get3A_27 = vector.load %arg5[%get3A_25, %get3A_26] : memref<10000x64xf32, #tpu.memory_space<vmem>>, vector<10000x64xf32>
    %mul3A_28 = arith.mulf %div3A_24, %get3A_27 : vector<10000x64xf32>
    %add3A_29 = arith.addf %max3A_14, %mul3A_28 : vector<10000x64xf32>
    %swap3A_30 = arith.constant 0 : index
    %swap3A_31 = arith.constant 0 : index
    %swap3A_32 = vector.load %arg7[%swap3A_30, %swap3A_31] : memref<10000x64xf32, #tpu.memory_space<vmem>>, vector<10000x64xf32>
    tpu.vector_store %arg7[%swap3A_30, %swap3A_31], %add3A_29 {strides = array<i32>} : memref<10000x64xf32, #tpu.memory_space<vmem>>, vector<10000x64xf32>,
    %broadcast_in_dim3A_33 = arith.constant 0.000000e+00 : f32
    %broadcast_in_dim3A_34 = vector.broadcast %broadcast_in_dim3A_33 : f32 to vector<10000x64xf32>
    %concatenate3A = tpu.concatenate %max3A_14, %broadcast_in_dim3A_34 in 1 : vector<10000x64xf32>, vector<10000x64xf32> -> vector<10000x128xf32>
    %swap3A_35 = arith.constant 0 : index
    %swap3A_36 = arith.constant 0 : index
    %swap3A_37 = vector.load %arg8[%swap3A_35, %swap3A_36] : memref<10000x128xf32, #tpu.memory_space<vmem>>, vector<10000x128xf32>
    tpu.vector_store %arg8[%swap3A_35, %swap3A_36], %concatenate3A {strides = array<i32>} : memref<10000x128xf32, #tpu.memory_space<vmem>>, vector<10000x128xf32>,
    %get3A_38 = arith.constant 0 : index
    %get3A_39 = arith.constant 0 : index
    %get3A_40 = vector.load %arg5[%get3A_38, %get3A_39] : memref<10000x64xf32, #tpu.memory_space<vmem>>, vector<10000x64xf32>
    %reduce_sum3A_41 = vector.shape_cast %get3A_40 : vector<10000x64xf32> to vector<1x10000x64xf32>
    %reduce_sum3A_42 = arith.constant dense<0.000000e+00> : vector<1xf32>
    %reduce_sum3A_43 = vector.multi_reduction <add>, %reduce_sum3A_41, %reduce_sum3A_42 [1, 2] : vector<1x10000x64xf32> to vector<1xf32>
    %reduce_sum3A_44 = vector.shape_cast %reduce_sum3A_43 : vector<1xf32> to vector<1x1x1xf32>
    %reduce_sum3A_45 = vector.extract %reduce_sum3A_44[0, 0, 0] : f32 from vector<1x1x1xf32>
    %swap3A_46 = arith.constant 0 : index
    %swap3A_47 = arith.constant 0 : index
    %swap3A_48 = memref.load %arg9[%swap3A_46, %swap3A_47] : memref<1x1xf32, #tpu.memory_space<smem>>
    memref.store %reduce_sum3A_45, %arg9[%swap3A_46, %swap3A_47] : memref<1x1xf32, #tpu.memory_space<smem>>
    return
  }
  func.func @transform_0(%arg0: i32) -> (i32, i32, i32) {
    %c0_i32 = arith.constant 0 : i32
    %c0_i32_0 = arith.constant 0 : i32
    %c0_i32_1 = arith.constant 0 : i32
    %c0_i32_2 = arith.constant 0 : i32
    return %c0_i32, %c0_i32_0, %c0_i32_1 : i32, i32, i32
  }
  func.func @transform_1(%arg0: i32) -> (i32, i32, i32) {
    %c1_i32 = arith.constant 1 : i32
    %c0_i32 = arith.constant 0 : i32
    %c0_i32_0 = arith.constant 0 : i32
    %c0_i32_1 = arith.constant 0 : i32
    return %c1_i32, %c0_i32, %c0_i32_0 : i32, i32, i32
  }
  func.func @transform_2(%arg0: i32) -> (i32, i32) {
    %c0_i32 = arith.constant 0 : i32
    %c0_i32_0 = arith.constant 0 : i32
    %c0_i32_1 = arith.constant 0 : i32
    return %c0_i32, %c0_i32_0 : i32, i32
  }
  func.func @transform_3(%arg0: i32) -> (i32, i32) {
    %c0_i32 = arith.constant 0 : i32
    %c0_i32_0 = arith.constant 0 : i32
    %c0_i32_1 = arith.constant 0 : i32
    return %c0_i32, %c0_i32_0 : i32, i32
  }
  func.func @transform_4(%arg0: i32) -> (i32, i32) {
    %c0_i32 = arith.constant 0 : i32
    %c0_i32_0 = arith.constant 0 : i32
    %c0_i32_1 = arith.constant 0 : i32
    return %c0_i32, %c0_i32_0 : i32, i32
  }
  func.func @transform_5(%arg0: i32) -> (i32, i32) {
    %c0_i32 = arith.constant 0 : i32
    %c0_i32_0 = arith.constant 0 : i32
    %c0_i32_1 = arith.constant 0 : i32
    return %c0_i32, %c0_i32_0 : i32, i32
  }
  func.func @transform_6(%arg0: i32) -> (i32, i32) {
    %c0_i32 = arith.constant 0 : i32
    %c0_i32_0 = arith.constant 0 : i32
    %c0_i32_1 = arith.constant 0 : i32
    return %c0_i32, %c0_i32_0 : i32, i32
  }
  func.func @transform_7(%arg0: i32) -> (i32, i32) {
    %c0_i32 = arith.constant 0 : i32
    %c0_i32_0 = arith.constant 0 : i32
    %c0_i32_1 = arith.constant 0 : i32
    return %c0_i32, %c0_i32_0 : i32, i32
  }
  func.func @transform_8(%arg0: i32) -> (i32, i32) {
    %c0_i32 = arith.constant 0 : i32
    %c0_i32_0 = arith.constant 0 : i32
    %c0_i32_1 = arith.constant 0 : i32
    return %c0_i32, %c0_i32_0 : i32, i32
  }
}

module attributes {stable_mosaic.version = 14 : i64} {
  func.func @_k4_body(%arg0: i32, %arg1: i32, %arg2: memref<1000x64xf32, #tpu.memory_space<vmem>>, %arg3: memref<1000x64xf32, #tpu.memory_space<vmem>>, %arg4: memref<1000x64xf32, #tpu.memory_space<vmem>>, %arg5: memref<8x128xf32, #tpu.memory_space<vmem>>) attributes {dimension_semantics = [#tpu.dimension_semantics<arbitrary>, #tpu.dimension_semantics<arbitrary>], iteration_bounds = array<i64: 10, 10>, scalar_prefetch = 0 : i64, scratch_operands = 0 : i64, tpu.core_type = #tpu.core_type<tc>, window_params = [{transform_indices = @transform_0, window_bounds = array<i64: 1000, 64>}, {transform_indices = @transform_1, window_bounds = array<i64: 1000, 64>}, {transform_indices = @transform_2, window_bounds = array<i64: 1000, 64>}, {pipeline_mode = #tpu.pipeline_mode<synchronous>, transform_indices = @transform_3, window_bounds = array<i64: 8, 128>}]} {
    %eq3A = arith.constant 0 : i32
    %eq3A_0 = arith.cmpi eq, %arg0, %eq3A : i32
    %eq3A_1 = arith.constant 0 : i32
    %eq3A_2 = arith.cmpi eq, %arg1, %eq3A_1 : i32
    %and3A = arith.andi %eq3A_0, %eq3A_2 : i1
    %convert_element_type3A = arith.extui %and3A : i1 to i32
    %cond3A = arith.constant 0 : i32
    %cond3A_3 = arith.cmpi ne, %convert_element_type3A, %cond3A : i32
    scf.if %cond3A_3 {
      %broadcast_in_dim3A_65 = arith.constant 0.000000e+00 : f32
      %broadcast_in_dim3A_66 = vector.broadcast %broadcast_in_dim3A_65 : f32 to vector<8x128xf32>
      %swap3A_67 = arith.constant 0 : index
      %swap3A_68 = arith.constant 0 : index
      %swap3A_69 = vector.load %arg5[%swap3A_67, %swap3A_68] : memref<8x128xf32, #tpu.memory_space<vmem>>, vector<8x128xf32>
      tpu.vector_store %arg5[%swap3A_67, %swap3A_68], %broadcast_in_dim3A_66 {strides = array<i32>} : memref<8x128xf32, #tpu.memory_space<vmem>>, vector<8x128xf32>,
    } else {
    }
    %get3A = arith.constant 0 : index
    %get3A_4 = arith.constant 0 : index
    %get3A_5 = vector.load %arg2[%get3A, %get3A_4] : memref<1000x64xf32, #tpu.memory_space<vmem>>, vector<1000x64xf32>
    %get3A_6 = arith.constant 0 : index
    %get3A_7 = arith.constant 0 : index
    %get3A_8 = vector.load %arg3[%get3A_6, %get3A_7] : memref<1000x64xf32, #tpu.memory_space<vmem>>, vector<1000x64xf32>
    %get3A_9 = arith.constant 0 : index
    %get3A_10 = arith.constant 0 : index
    %get3A_11 = vector.load %arg4[%get3A_9, %get3A_10] : memref<1000x64xf32, #tpu.memory_space<vmem>>, vector<1000x64xf32>
    %dot_general3A = arith.constant dense<0.000000e+00> : vector<1000x1000xf32>
    %dot_general3A_12 = tpu.matmul %get3A_5, %get3A_11, %dot_general3A {dimension_numbers = #tpu.dot_dimension_numbers<[1], [1], [0], [0], [0, 0, 1, 0], [], []>, transpose_lhs_hint = false} : vector<1000x64xf32>, vector<1000x64xf32>, vector<1000x1000xf32> -> vector<1000x1000xf32>
    %max3A = arith.constant 0.000000e+00 : f32
    %max3A_13 = vector.broadcast %max3A : f32 to vector<1000x1000xf32>
    %max3A_14 = arith.maximumf %dot_general3A_12, %max3A_13 : vector<1000x1000xf32>
    %abs3A = math.absf %dot_general3A_12 : vector<1000x1000xf32>
    %neg3A = arith.constant 0.000000e+00 : f32
    %neg3A_15 = vector.broadcast %neg3A : f32 to vector<1000x1000xf32>
    %neg3A_16 = arith.subf %neg3A_15, %abs3A : vector<1000x1000xf32>
    %exp3A = math.exp %neg3A_16 : vector<1000x1000xf32>
    %log1p3A = math.log1p %exp3A : vector<1000x1000xf32>
    %add3A = arith.addf %max3A_14, %log1p3A : vector<1000x1000xf32>
    %reduce_sum3A = vector.shape_cast %add3A : vector<1000x1000xf32> to vector<1x1000x1000xf32>
    %reduce_sum3A_17 = arith.constant dense<0.000000e+00> : vector<1xf32>
    %reduce_sum3A_18 = vector.multi_reduction <add>, %reduce_sum3A, %reduce_sum3A_17 [1, 2] : vector<1x1000x1000xf32> to vector<1xf32>
    %reduce_sum3A_19 = vector.shape_cast %reduce_sum3A_18 : vector<1xf32> to vector<1x1x1xf32>
    %reduce_sum3A_20 = vector.extract %reduce_sum3A_19[0, 0, 0] : f32 from vector<1x1x1xf32>
    %dot_general3A_21 = arith.constant dense<0.000000e+00> : vector<1000x1000xf32>
    %dot_general3A_22 = tpu.matmul %get3A_8, %get3A_11, %dot_general3A_21 {dimension_numbers = #tpu.dot_dimension_numbers<[1], [1], [0], [0], [0, 0, 1, 0], [], []>, transpose_lhs_hint = false} : vector<1000x64xf32>, vector<1000x64xf32>, vector<1000x1000xf32> -> vector<1000x1000xf32>
    %max3A_23 = arith.constant 0.000000e+00 : f32
    %max3A_24 = vector.broadcast %max3A_23 : f32 to vector<1000x1000xf32>
    %max3A_25 = arith.maximumf %dot_general3A_22, %max3A_24 : vector<1000x1000xf32>
    %abs3A_26 = math.absf %dot_general3A_22 : vector<1000x1000xf32>
    %neg3A_27 = arith.constant 0.000000e+00 : f32
    %neg3A_28 = vector.broadcast %neg3A_27 : f32 to vector<1000x1000xf32>
    %neg3A_29 = arith.subf %neg3A_28, %abs3A_26 : vector<1000x1000xf32>
    %exp3A_30 = math.exp %neg3A_29 : vector<1000x1000xf32>
    %log1p3A_31 = math.log1p %exp3A_30 : vector<1000x1000xf32>
    %add3A_32 = arith.addf %max3A_25, %log1p3A_31 : vector<1000x1000xf32>
    %reduce_sum3A_33 = vector.shape_cast %add3A_32 : vector<1000x1000xf32> to vector<1x1000x1000xf32>
    %reduce_sum3A_34 = arith.constant dense<0.000000e+00> : vector<1xf32>
    %reduce_sum3A_35 = vector.multi_reduction <add>, %reduce_sum3A_33, %reduce_sum3A_34 [1, 2] : vector<1x1000x1000xf32> to vector<1xf32>
    %reduce_sum3A_36 = vector.shape_cast %reduce_sum3A_35 : vector<1xf32> to vector<1x1x1xf32>
    %reduce_sum3A_37 = vector.extract %reduce_sum3A_36[0, 0, 0] : f32 from vector<1x1x1xf32>
    %iota3A = tpu.iota {dimensions = array<i32: 0>} : vector<8x128xi32>
    %iota3A_38 = tpu.iota {dimensions = array<i32: 1>} : vector<8x128xi32>
    %eq3A_39 = arith.constant 0 : i32
    %eq3A_40 = vector.broadcast %eq3A_39 : i32 to vector<8x128xi32>
    %eq3A_41 = arith.cmpi eq, %iota3A, %eq3A_40 : vector<8x128xi32>
    %eq3A_42 = arith.constant 0 : i32
    %eq3A_43 = vector.broadcast %eq3A_42 : i32 to vector<8x128xi32>
    %eq3A_44 = arith.cmpi eq, %iota3A_38, %eq3A_43 : vector<8x128xi32>
    %and3A_45 = arith.andi %eq3A_41, %eq3A_44 : vector<8x128xi1>
    %jit3A = arith.constant 0.000000e+00 : f32
    %broadcast_in_dim3A = vector.broadcast %reduce_sum3A_20 : f32 to vector<8x128xf32>
    %broadcast_in_dim3A_46 = vector.broadcast %jit3A : f32 to vector<8x128xf32>
    %select_n3A = arith.select %and3A_45, %broadcast_in_dim3A, %broadcast_in_dim3A_46 : vector<8x128xi1>, vector<8x128xf32>
    %eq3A_47 = arith.constant 0 : i32
    %eq3A_48 = vector.broadcast %eq3A_47 : i32 to vector<8x128xi32>
    %eq3A_49 = arith.cmpi eq, %iota3A, %eq3A_48 : vector<8x128xi32>
    %eq3A_50 = arith.constant 1 : i32
    %eq3A_51 = vector.broadcast %eq3A_50 : i32 to vector<8x128xi32>
    %eq3A_52 = arith.cmpi eq, %iota3A_38, %eq3A_51 : vector<8x128xi32>
    %and3A_53 = arith.andi %eq3A_49, %eq3A_52 : vector<8x128xi1>
    %jit3A_54 = arith.constant 0.000000e+00 : f32
    %broadcast_in_dim3A_55 = vector.broadcast %reduce_sum3A_37 : f32 to vector<8x128xf32>
    %broadcast_in_dim3A_56 = vector.broadcast %jit3A_54 : f32 to vector<8x128xf32>
    %select_n3A_57 = arith.select %and3A_53, %broadcast_in_dim3A_55, %broadcast_in_dim3A_56 : vector<8x128xi1>, vector<8x128xf32>
    %add3A_58 = arith.addf %select_n3A, %select_n3A_57 : vector<8x128xf32>
    %get3A_59 = arith.constant 0 : index
    %get3A_60 = arith.constant 0 : index
    %get3A_61 = vector.load %arg5[%get3A_59, %get3A_60] : memref<8x128xf32, #tpu.memory_space<vmem>>, vector<8x128xf32>
    %add3A_62 = arith.addf %get3A_61, %add3A_58 : vector<8x128xf32>
    %swap3A = arith.constant 0 : index
    %swap3A_63 = arith.constant 0 : index
    %swap3A_64 = vector.load %arg5[%swap3A, %swap3A_63] : memref<8x128xf32, #tpu.memory_space<vmem>>, vector<8x128xf32>
    tpu.vector_store %arg5[%swap3A, %swap3A_63], %add3A_62 {strides = array<i32>} : memref<8x128xf32, #tpu.memory_space<vmem>>, vector<8x128xf32>,
    return
  }
  func.func @transform_0(%arg0: i32, %arg1: i32) -> (i32, i32) {
    %c0_i32 = arith.constant 0 : i32
    %c0_i32_0 = arith.constant 0 : i32
    return %arg0, %c0_i32 : i32, i32
  }
  func.func @transform_1(%arg0: i32, %arg1: i32) -> (i32, i32) {
    %c0_i32 = arith.constant 0 : i32
    %c0_i32_0 = arith.constant 0 : i32
    return %arg0, %c0_i32 : i32, i32
  }
  func.func @transform_2(%arg0: i32, %arg1: i32) -> (i32, i32) {
    %c0_i32 = arith.constant 0 : i32
    %c0_i32_0 = arith.constant 0 : i32
    return %arg1, %c0_i32 : i32, i32
  }
  func.func @transform_3(%arg0: i32, %arg1: i32) -> (i32, i32) {
    %c0_i32 = arith.constant 0 : i32
    %c0_i32_0 = arith.constant 0 : i32
    %c0_i32_1 = arith.constant 0 : i32
    return %c0_i32, %c0_i32_0 : i32, i32
  }
}

module attributes {stable_mosaic.version = 14 : i64} {
  func.func @_k5_body(%arg0: i32, %arg1: i32, %arg2: memref<1000x64xf32, #tpu.memory_space<vmem>>, %arg3: memref<1000x64xf32, #tpu.memory_space<vmem>>, %arg4: memref<1x1000x128xf32, #tpu.memory_space<vmem>>, %arg5: memref<1x1000x128xf32, #tpu.memory_space<vmem>>, %arg6: memref<1000x128xf32, #tpu.memory_space<vmem>>, %arg7: memref<8x128xf32, #tpu.memory_space<vmem>>) attributes {dimension_semantics = [#tpu.dimension_semantics<arbitrary>, #tpu.dimension_semantics<arbitrary>], iteration_bounds = array<i64: 10, 10>, scalar_prefetch = 0 : i64, scratch_operands = 0 : i64, tpu.core_type = #tpu.core_type<tc>, window_params = [{transform_indices = @transform_0, window_bounds = array<i64: 1000, 64>}, {transform_indices = @transform_1, window_bounds = array<i64: 1000, 64>}, {transform_indices = @transform_2, window_bounds = array<i64: 1, 1000, 128>}, {transform_indices = @transform_3, window_bounds = array<i64: 1, 1000, 128>}, {transform_indices = @transform_4, window_bounds = array<i64: 1000, 128>}, {pipeline_mode = #tpu.pipeline_mode<synchronous>, transform_indices = @transform_5, window_bounds = array<i64: 8, 128>}]} {
    %eq3A = arith.constant 0 : i32
    %eq3A_0 = arith.cmpi eq, %arg0, %eq3A : i32
    %eq3A_1 = arith.constant 0 : i32
    %eq3A_2 = arith.cmpi eq, %arg1, %eq3A_1 : i32
    %and3A = arith.andi %eq3A_0, %eq3A_2 : i1
    %convert_element_type3A = arith.extui %and3A : i1 to i32
    %cond3A = arith.constant 0 : i32
    %cond3A_3 = arith.cmpi ne, %convert_element_type3A, %cond3A : i32
    scf.if %cond3A_3 {
      %broadcast_in_dim3A_118 = arith.constant 0.000000e+00 : f32
      %broadcast_in_dim3A_119 = vector.broadcast %broadcast_in_dim3A_118 : f32 to vector<8x128xf32>
      %swap3A_120 = arith.constant 0 : index
      %swap3A_121 = arith.constant 0 : index
      %swap3A_122 = vector.load %arg7[%swap3A_120, %swap3A_121] : memref<8x128xf32, #tpu.memory_space<vmem>>, vector<8x128xf32>
      tpu.vector_store %arg7[%swap3A_120, %swap3A_121], %broadcast_in_dim3A_119 {strides = array<i32>} : memref<8x128xf32, #tpu.memory_space<vmem>>, vector<8x128xf32>,
    } else {
    }
    %get3A = arith.constant 0 : index
    %get3A_4 = arith.constant 0 : index
    %get3A_5 = vector.load %arg2[%get3A, %get3A_4] : memref<1000x64xf32, #tpu.memory_space<vmem>>, vector<1000x64xf32>
    %get3A_6 = arith.constant 0 : index
    %get3A_7 = arith.constant 0 : index
    %get3A_8 = vector.load %arg3[%get3A_6, %get3A_7] : memref<1000x64xf32, #tpu.memory_space<vmem>>, vector<1000x64xf32>
    %get3A_9 = arith.constant 0 : index
    %get3A_10 = arith.constant 0 : index
    %get3A_11 = vector.load %arg6[%get3A_9, %get3A_10] : memref<1000x128xf32, #tpu.memory_space<vmem>>, vector<1000x128xf32>
    %slice3A = vector.extract_strided_slice %get3A_11 {offsets = [0, 0], sizes = [1000, 64], strides = [1, 1]} : vector<1000x128xf32> to vector<1000x64xf32>
    %mul3A = arith.mulf %get3A_8, %slice3A : vector<1000x64xf32>
    %reduce_sum3A = arith.constant dense<0.000000e+00> : vector<1000xf32>
    %reduce_sum3A_12 = vector.multi_reduction <add>, %mul3A, %reduce_sum3A [1] : vector<1000x64xf32> to vector<1000xf32>
    %broadcast_in_dim3A = vector.shape_cast %reduce_sum3A_12 : vector<1000xf32> to vector<1000x1xf32>
    %div3A = arith.constant 7.000000e-02 : f32
    %div3A_13 = vector.broadcast %div3A : f32 to vector<1000x1xf32>
    %div3A_14 = arith.divf %broadcast_in_dim3A, %div3A_13 : vector<1000x1xf32>
    %max3A = arith.constant 0.000000e+00 : f32
    %max3A_15 = vector.broadcast %max3A : f32 to vector<1000x1xf32>
    %max3A_16 = arith.maximumf %div3A_14, %max3A_15 : vector<1000x1xf32>
    %abs3A = math.absf %div3A_14 : vector<1000x1xf32>
    %neg3A = arith.constant 0.000000e+00 : f32
    %neg3A_17 = vector.broadcast %neg3A : f32 to vector<1000x1xf32>
    %neg3A_18 = arith.subf %neg3A_17, %abs3A : vector<1000x1xf32>
    %exp3A = math.exp %neg3A_18 : vector<1000x1xf32>
    %log1p3A = math.log1p %exp3A : vector<1000x1xf32>
    %add3A = arith.addf %max3A_16, %log1p3A : vector<1000x1xf32>
    %reduce_sum3A_19 = vector.shape_cast %add3A : vector<1000x1xf32> to vector<1x1000x1xf32>
    %reduce_sum3A_20 = arith.constant dense<0.000000e+00> : vector<1xf32>
    %reduce_sum3A_21 = vector.multi_reduction <add>, %reduce_sum3A_19, %reduce_sum3A_20 [1, 2] : vector<1x1000x1xf32> to vector<1xf32>
    %reduce_sum3A_22 = vector.shape_cast %reduce_sum3A_21 : vector<1xf32> to vector<1x1x1xf32>
    %reduce_sum3A_23 = vector.extract %reduce_sum3A_22[0, 0, 0] : f32 from vector<1x1x1xf32>
    %eq3A_24 = arith.constant 0 : i32
    %eq3A_25 = arith.cmpi eq, %arg1, %eq3A_24 : i32
    %convert_element_type3A_26 = arith.extui %eq3A_25 : i1 to i32
    %convert_element_type3A_27 = arith.sitofp %convert_element_type3A_26 : i32 to f32
    %get3A_28 = arith.constant 0 : index
    %get3A_29 = arith.constant 0 : index
    %get3A_30 = arith.constant 0 : index
    %get3A_31 = vector.load %arg4[%get3A_28, %get3A_29, %get3A_30] : memref<1x1000x128xf32, #tpu.memory_space<vmem>>, vector<1x1000x128xf32>
    %get3A_32 = vector.shape_cast %get3A_31 : vector<1x1000x128xf32> to vector<1000x128xf32>
    %get3A_33 = arith.constant 0 : index
    %get3A_34 = arith.constant 0 : index
    %get3A_35 = arith.constant 0 : index
    %get3A_36 = vector.load %arg5[%get3A_33, %get3A_34, %get3A_35] : memref<1x1000x128xf32, #tpu.memory_space<vmem>>, vector<1x1000x128xf32>
    %get3A_37 = vector.shape_cast %get3A_36 : vector<1x1000x128xf32> to vector<1000x128xf32>
    %add3A_38 = arith.addf %get3A_32, %get3A_37 : vector<1000x128xf32>
    %slice3A_39 = vector.extract_strided_slice %add3A_38 {offsets = [0, 0], sizes = [1000, 64], strides = [1, 1]} : vector<1000x128xf32> to vector<1000x64xf32>
    %mul3A_40 = arith.mulf %get3A_5, %slice3A_39 : vector<1000x64xf32>
    %reduce_sum3A_41 = vector.shape_cast %mul3A_40 : vector<1000x64xf32> to vector<1x1000x64xf32>
    %reduce_sum3A_42 = arith.constant dense<0.000000e+00> : vector<1xf32>
    %reduce_sum3A_43 = vector.multi_reduction <add>, %reduce_sum3A_41, %reduce_sum3A_42 [1, 2] : vector<1x1000x64xf32> to vector<1xf32>
    %reduce_sum3A_44 = vector.shape_cast %reduce_sum3A_43 : vector<1xf32> to vector<1x1x1xf32>
    %reduce_sum3A_45 = vector.extract %reduce_sum3A_44[0, 0, 0] : f32 from vector<1x1x1xf32>
    %mul3A_46 = arith.mulf %reduce_sum3A_45, %convert_element_type3A_27 : f32
    %mul3A_47 = arith.mulf %get3A_8, %slice3A_39 : vector<1000x64xf32>
    %reduce_sum3A_48 = vector.shape_cast %mul3A_47 : vector<1000x64xf32> to vector<1x1000x64xf32>
    %reduce_sum3A_49 = arith.constant dense<0.000000e+00> : vector<1xf32>
    %reduce_sum3A_50 = vector.multi_reduction <add>, %reduce_sum3A_48, %reduce_sum3A_49 [1, 2] : vector<1x1000x64xf32> to vector<1xf32>
    %reduce_sum3A_51 = vector.shape_cast %reduce_sum3A_50 : vector<1xf32> to vector<1x1x1xf32>
    %reduce_sum3A_52 = vector.extract %reduce_sum3A_51[0, 0, 0] : f32 from vector<1x1x1xf32>
    %mul3A_53 = arith.mulf %reduce_sum3A_52, %convert_element_type3A_27 : f32
    %mul3A_54 = arith.mulf %get3A_8, %get3A_5 : vector<1000x64xf32>
    %reduce_sum3A_55 = arith.constant dense<0.000000e+00> : vector<1000xf32>
    %reduce_sum3A_56 = vector.multi_reduction <add>, %mul3A_54, %reduce_sum3A_55 [1] : vector<1000x64xf32> to vector<1000xf32>
    %broadcast_in_dim3A_57 = vector.shape_cast %reduce_sum3A_56 : vector<1000xf32> to vector<1000x1xf32>
    %div3A_58 = arith.constant 7.000000e-02 : f32
    %div3A_59 = vector.broadcast %div3A_58 : f32 to vector<1000x1xf32>
    %div3A_60 = arith.divf %broadcast_in_dim3A_57, %div3A_59 : vector<1000x1xf32>
    %max3A_61 = arith.constant 0.000000e+00 : f32
    %max3A_62 = vector.broadcast %max3A_61 : f32 to vector<1000x1xf32>
    %max3A_63 = arith.maximumf %div3A_60, %max3A_62 : vector<1000x1xf32>
    %abs3A_64 = math.absf %div3A_60 : vector<1000x1xf32>
    %neg3A_65 = arith.constant 0.000000e+00 : f32
    %neg3A_66 = vector.broadcast %neg3A_65 : f32 to vector<1000x1xf32>
    %neg3A_67 = arith.subf %neg3A_66, %abs3A_64 : vector<1000x1xf32>
    %exp3A_68 = math.exp %neg3A_67 : vector<1000x1xf32>
    %log1p3A_69 = math.log1p %exp3A_68 : vector<1000x1xf32>
    %add3A_70 = arith.addf %max3A_63, %log1p3A_69 : vector<1000x1xf32>
    %sub3A = arith.subf %add3A_70, %div3A_60 : vector<1000x1xf32>
    %reduce_sum3A_71 = vector.shape_cast %sub3A : vector<1000x1xf32> to vector<1x1000x1xf32>
    %reduce_sum3A_72 = arith.constant dense<0.000000e+00> : vector<1xf32>
    %reduce_sum3A_73 = vector.multi_reduction <add>, %reduce_sum3A_71, %reduce_sum3A_72 [1, 2] : vector<1x1000x1xf32> to vector<1xf32>
    %reduce_sum3A_74 = vector.shape_cast %reduce_sum3A_73 : vector<1xf32> to vector<1x1x1xf32>
    %reduce_sum3A_75 = vector.extract %reduce_sum3A_74[0, 0, 0] : f32 from vector<1x1x1xf32>
    %mul3A_76 = arith.mulf %reduce_sum3A_75, %convert_element_type3A_27 : f32
    %add3A_77 = arith.addf %reduce_sum3A_23, %mul3A_76 : f32
    %iota3A = tpu.iota {dimensions = array<i32: 0>} : vector<8x128xi32>
    %iota3A_78 = tpu.iota {dimensions = array<i32: 1>} : vector<8x128xi32>
    %eq3A_79 = arith.constant 0 : i32
    %eq3A_80 = vector.broadcast %eq3A_79 : i32 to vector<8x128xi32>
    %eq3A_81 = arith.cmpi eq, %iota3A, %eq3A_80 : vector<8x128xi32>
    %eq3A_82 = arith.constant 2 : i32
    %eq3A_83 = vector.broadcast %eq3A_82 : i32 to vector<8x128xi32>
    %eq3A_84 = arith.cmpi eq, %iota3A_78, %eq3A_83 : vector<8x128xi32>
    %and3A_85 = arith.andi %eq3A_81, %eq3A_84 : vector<8x128xi1>
    %jit3A = arith.constant 0.000000e+00 : f32
    %broadcast_in_dim3A_86 = vector.broadcast %mul3A_46 : f32 to vector<8x128xf32>
    %broadcast_in_dim3A_87 = vector.broadcast %jit3A : f32 to vector<8x128xf32>
    %select_n3A = arith.select %and3A_85, %broadcast_in_dim3A_86, %broadcast_in_dim3A_87 : vector<8x128xi1>, vector<8x128xf32>
    %eq3A_88 = arith.constant 0 : i32
    %eq3A_89 = vector.broadcast %eq3A_88 : i32 to vector<8x128xi32>
    %eq3A_90 = arith.cmpi eq, %iota3A, %eq3A_89 : vector<8x128xi32>
    %eq3A_91 = arith.constant 3 : i32
    %eq3A_92 = vector.broadcast %eq3A_91 : i32 to vector<8x128xi32>
    %eq3A_93 = arith.cmpi eq, %iota3A_78, %eq3A_92 : vector<8x128xi32>
    %and3A_94 = arith.andi %eq3A_90, %eq3A_93 : vector<8x128xi1>
    %jit3A_95 = arith.constant 0.000000e+00 : f32
    %broadcast_in_dim3A_96 = vector.broadcast %mul3A_53 : f32 to vector<8x128xf32>
    %broadcast_in_dim3A_97 = vector.broadcast %jit3A_95 : f32 to vector<8x128xf32>
    %select_n3A_98 = arith.select %and3A_94, %broadcast_in_dim3A_96, %broadcast_in_dim3A_97 : vector<8x128xi1>, vector<8x128xf32>
    %add3A_99 = arith.addf %select_n3A, %select_n3A_98 : vector<8x128xf32>
    %eq3A_100 = arith.constant 0 : i32
    %eq3A_101 = vector.broadcast %eq3A_100 : i32 to vector<8x128xi32>
    %eq3A_102 = arith.cmpi eq, %iota3A, %eq3A_101 : vector<8x128xi32>
    %eq3A_103 = arith.constant 4 : i32
    %eq3A_104 = vector.broadcast %eq3A_103 : i32 to vector<8x128xi32>
    %eq3A_105 = arith.cmpi eq, %iota3A_78, %eq3A_104 : vector<8x128xi32>
    %and3A_106 = arith.andi %eq3A_102, %eq3A_105 : vector<8x128xi1>
    %jit3A_107 = arith.constant 0.000000e+00 : f32
    %broadcast_in_dim3A_108 = vector.broadcast %add3A_77 : f32 to vector<8x128xf32>
    %broadcast_in_dim3A_109 = vector.broadcast %jit3A_107 : f32 to vector<8x128xf32>
    %select_n3A_110 = arith.select %and3A_106, %broadcast_in_dim3A_108, %broadcast_in_dim3A_109 : vector<8x128xi1>, vector<8x128xf32>
    %add3A_111 = arith.addf %add3A_99, %select_n3A_110 : vector<8x128xf32>
    %get3A_112 = arith.constant 0 : index
    %get3A_113 = arith.constant 0 : index
    %get3A_114 = vector.load %arg7[%get3A_112, %get3A_113] : memref<8x128xf32, #tpu.memory_space<vmem>>, vector<8x128xf32>
    %add3A_115 = arith.addf %get3A_114, %add3A_111 : vector<8x128xf32>
    %swap3A = arith.constant 0 : index
    %swap3A_116 = arith.constant 0 : index
    %swap3A_117 = vector.load %arg7[%swap3A, %swap3A_116] : memref<8x128xf32, #tpu.memory_space<vmem>>, vector<8x128xf32>
    tpu.vector_store %arg7[%swap3A, %swap3A_116], %add3A_115 {strides = array<i32>} : memref<8x128xf32, #tpu.memory_space<vmem>>, vector<8x128xf32>,
    return
  }
  func.func @transform_0(%arg0: i32, %arg1: i32) -> (i32, i32) {
    %c0_i32 = arith.constant 0 : i32
    %c0_i32_0 = arith.constant 0 : i32
    return %arg0, %c0_i32 : i32, i32
  }
  func.func @transform_1(%arg0: i32, %arg1: i32) -> (i32, i32) {
    %c0_i32 = arith.constant 0 : i32
    %c0_i32_0 = arith.constant 0 : i32
    return %arg0, %c0_i32 : i32, i32
  }
  func.func @transform_2(%arg0: i32, %arg1: i32) -> (i32, i32, i32) {
    %c0_i32 = arith.constant 0 : i32
    %c0_i32_0 = arith.constant 0 : i32
    %c0_i32_1 = arith.constant 0 : i32
    return %c0_i32, %arg0, %c0_i32_0 : i32, i32, i32
  }
  func.func @transform_3(%arg0: i32, %arg1: i32) -> (i32, i32, i32) {
    %c1_i32 = arith.constant 1 : i32
    %c0_i32 = arith.constant 0 : i32
    %c0_i32_0 = arith.constant 0 : i32
    return %c1_i32, %arg0, %c0_i32 : i32, i32, i32
  }
  func.func @transform_4(%arg0: i32, %arg1: i32) -> (i32, i32) {
    %mul3A = arith.constant 10 : i32
    %mul3A_0 = arith.muli %arg1, %mul3A : i32
    %add3A = arith.addi %mul3A_0, %arg0 : i32
    %c0_i32 = arith.constant 0 : i32
    %c0_i32_1 = arith.constant 0 : i32
    return %add3A, %c0_i32 : i32, i32
  }
  func.func @transform_5(%arg0: i32, %arg1: i32) -> (i32, i32) {
    %c0_i32 = arith.constant 0 : i32
    %c0_i32_0 = arith.constant 0 : i32
    %c0_i32_1 = arith.constant 0 : i32
    return %c0_i32, %c0_i32_0 : i32, i32
  }
}

</mosaic_0001>

<sc_bundles>
// kernel: kernel.11.cloned.1.call-start
scs
__scs_entry_jumppad:
0x0: {  	(pc) =	sbr.rel $0x88, $3  }
0x1: {  	(tag) =	ssettag $0x0;
	lr =	simm.s32 $0x1  }
0x2: {  	[smem:$0x3F99] =	sst lr;
	_ =	strace $0xD0000000  }
0x3: {  	_ = 	snop  }
0x4: {  	_ = 	snop  }
0x5: {  	_ = 	snop  }
0x6: {  	_ = 	snop  }
0x7: {  	_ = 	snop  }
__scs_overlays_trampoline_lowered:
0x8: {  	[smem:$0x3FA8] =	sst s0  }
0x9: {  	[smem:$0x3FA9] =	sst s1  }
0xa: {  	[smem:$0x3FAA] =	sst s2  }
0xb: {  	[smem:$0x3FAB] =	sst s3  }
0xc: {  	[smem:$0x3FAC] =	sst s4  }
0xd: {  	[smem:$0x3FAD] =	sst s5  }
0xe: {  	[smem:$0x3FAE] =	sst s6  }
0xf: {  	[smem:$0x3FAF] =	sst s7  }
0x10: {  	[smem:$0x3FB0] =	sst s8  }
0x11: {  	[smem:$0x3FB1] =	sst s9;
	s0 =	simm.s32 @!p0 $0x0  }
0x12: {  	s1 =	sld [smem:$0x3F97];
	s0 =	simm.s32 @p0 $0x1  }
0x13: {  	[smem:$0x3FB2] =	sst s0;
	s0 =	simm.s32 @!p1 $0x0  }
0x14: {  	s2 =	sld [smem:$0x3F96];
	s0 =	simm.s32 @p1 $0x1  }
0x15: {  	[smem:$0x3FB3] =	sst s0;
	s0 =	simm.s32 @!p2 $0x0  }
0x16: {  	s3 =	sld [smem:$0x3FDB];
	s0 =	simm.s32 @p2 $0x1  }
0x17: {  	s4 =	simm.s32 $0x1BF5;
	[smem:$0x3FB5] =	sst s0  }
0x18: {  	s0 =	sld [smem:$0x3F98];
	_ =	swait.ge [sflag:s4], $0x0  }
0x19: {  	s7 =	sld [smem:$0x3F99]  }
0x1a: {  	s8 =	sadd.s32 $0xFFFFE003, lr  }
0x1b: {  	s9 =	sadd.s32 $0xFFFFFEF7, lr;
	s5 =	simm.s32 $0xFFFFFFFF;
	p2 =	slt.u32 s8, $0xFFFFF086  }
0x1c: {  	p1 =	slt.u32 s9, $0xF7A;
	s5 =	simm.s32 @!p2 $0x0  }
0x1d: {  	s5 =	simm.s32 @p1 $0x1;
	p0 =	seq.s32 s7, s2  }
0x1e: {  	s7 =	smul.u32 @!p0 $0xF7A, s2;
	p2 =	seq.s32 @!p0 s5, $0x0  }
0x1f: {  	s9 =	smul.u32 $0xF7A, s1;
	s8 =	simm.s32 @!p0 $0x1BF5;
	p2 =	por !p2, p0  }
0x20: {  	[sflag:s8] =	ssyncset.s32 @!p0 $0xFFFFF086;
	s6 =	sadd.s32 @!p0 s3, s7;
	s7 =	simm.s32 @!p0 $0x108  }
0x21: {  	s3 =	sadd.s32 s3, s9;
	s6 =	sadd.s32 @!p0 $0x88, s6;
	s7 =	simm.s32 @p2 $0x1082  }
0x22: {  	[simem:s7], [sflag:s8] =	dma.local @!p0 [hbm:s6], $0xF7A  }
0x23: {  	s9 =	sor.u32 $0xD0000000, s2;
	s6 =	simm.s32 $0x108;
	_ =	swait.ge @!p0 [sflag:s8], $0x0  }
0x24: {  	s3 =	sadd.s32 $0x88, s3;
	s6 =	simm.s32 @!p1 $0x1082;
	[sflag:s4] =	ssyncset.s32 $0xFFFFF086  }
0x25: {  	[simem:s6], [sflag:s4] =	dma.local [hbm:s3], $0xF7A  }
0x26: {  	[smem:$0x3F99] =	sst s1;
	(tag) =	ssettag s2;
	_ =	strace s9  }
0x27: {  	s1 =	sld [smem:$0x3FA9]  }
0x28: {  	s2 =	sld [smem:$0x3FAA]  }
0x29: {  	s4 =	sld [smem:$0x3FAC]  }
0x2a: {  	p0 =	seq.s32 s5, $0x0;
	s5 =	sld [smem:$0x3FAD]  }
0x2b: {  	s6 =	sld [smem:$0x3FAE]  }
0x2c: {  	s7 =	sld [smem:$0x3FAF]  }
0x2d: {  	s3 =	simm.s32 $0x108;
	s8 =	sld [smem:$0x3FB0]  }
0x2e: {  	s3 =	simm.s32 @!p0 $0x1082;
	s9 =	sld [smem:$0x3FB1]  }
0x2f: {  	lr =	sadd.s32 s0, s3;
	s0 =	sld [smem:$0x3FA8]  }
0x30: {  	s3 =	sld [smem:$0x3FAB]  }
0x31: {  	[smem:$0x3FB4] =	sst s10  }
0x32: {  	s10 =	sld [smem:$0x3FB2];
	_ =	sdelay $0x3  }
0x33: {  	p0 =	seq.s32 s10, $0x1;
	s10 =	sld [smem:$0x3FB4];
	_ =	sdelay $0x3  }
0x34: {  	[smem:$0x3FB4] =	sst s10  }
0x35: {  	s10 =	sld [smem:$0x3FB3];
	_ =	sdelay $0x3  }
0x36: {  	p1 =	seq.s32 s10, $0x1;
	s10 =	sld [smem:$0x3FB4];
	_ =	sdelay $0x3  }
0x37: {  	[smem:$0x3FB4] =	sst s10  }
0x38: {  	s10 =	sld [smem:$0x3FB5]  }
0x39: {  	_ = 	snop;
	(pc) =	sbr.ind lr, $3  }
0x3a: {  	_ = 	snop  }
0x3b: {  	_ = 	snop  }
0x3c: {  	p2 =	seq.s32 s10, $0x1;
	s10 =	sld [smem:$0x3FB4]  }
0x3d: {  	_ =	shalt  }
0x3e: {  	_ =	shalt  }
0x3f: {  	_ =	shalt  }
0x40: {  	_ =	shalt  }
0x41: {  	_ =	shalt  }
0x42: {  	_ =	shalt  }
0x43: {  	_ =	shalt  }
0x44: {  	_ =	shalt  }
0x45: {  	_ =	shalt  }
0x46: {  	_ =	shalt  }
0x47: {  	_ =	shalt  }
0x48: {  	_ =	shalt  }
0x49: {  	_ =	shalt  }
0x4a: {  	_ =	shalt  }
0x4b: {  	_ =	shalt  }
0x4c: {  	_ =	shalt  }
0x4d: {  	_ =	shalt  }
0x4e: {  	_ =	shalt  }
0x4f: {  	_ =	shalt  }
0x50: {  	_ =	shalt  }
0x51: {  	_ =	shalt  }
0x52: {  	_ =	shalt  }
0x53: {  	_ =	shalt  }
0x54: {  	_ =	shalt  }
0x55: {  	_ =	shalt  }
0x56: {  	_ =	shalt  }
0x57: {  	_ =	shalt  }
0x58: {  	_ =	shalt  }
0x59: {  	_ =	shalt  }
0x5a: {  	_ =	shalt  }
0x5b: {  	_ =	shalt  }
0x5c: {  	_ =	shalt  }
0x5d: {  	_ =	shalt  }
0x5e: {  	_ =	shalt  }
0x5f: {  	_ =	shalt  }
0x60: {  	_ =	shalt  }
0x61: {  	_ =	shalt  }
0x62: {  	_ =	shalt  }
0x63: {  	_ =	shalt  }
0x64: {  	_ =	shalt  }
0x65: {  	_ =	shalt  }
0x66: {  	_ =	shalt  }
0x67: {  	_ =	shalt  }
0x68: {  	_ =	shalt  }
0x69: {  	_ =	shalt  }
0x6a: {  	_ =	shalt  }
0x6b: {  	_ =	shalt  }
0x6c: {  	_ =	shalt  }
0x6d: {  	_ =	shalt  }
0x6e: {  	_ =	shalt  }
0x6f: {  	_ =	shalt  }
0x70: {  	_ =	shalt  }
0x71: {  	_ =	shalt  }
0x72: {  	_ =	shalt  }
0x73: {  	_ =	shalt  }
0x74: {  	_ =	shalt  }
0x75: {  	_ =	shalt  }
0x76: {  	_ =	shalt  }
0x77: {  	_ =	shalt  }
0x78: {  	_ =	shalt  }
0x79: {  	_ =	shalt  }
0x7a: {  	_ =	shalt  }
0x7b: {  	_ =	shalt  }
0x7c: {  	_ =	shalt  }
0x7d: {  	_ =	shalt  }
0x7e: {  	_ =	shalt  }
0x7f: {  	_ =	shalt  }
0x80: {  	_ =	shalt  }
0x81: {  	_ =	shalt  }
0x82: {  	_ =	shalt  }
0x83: {  	_ =	shalt  }
0x84: {  	_ =	shalt  }
0x85: {  	_ =	shalt  }
0x86: {  	_ =	shalt  }
0x87: {  	_ =	shalt  }
.Lfunc_end0:
.L_simem_size_0:
called_computation_lowered:
.L_overlay_start_0:
0x88: {  	s2 =	sld [smem:$0x3FD9]  }
0x89: {  	s3 =	sld [smem:$0x3FFE];
	_ =	sdelay $0x1  }
0x8a: {  	s1 =	srdreg.scid  }
0x8b: {  	s0 =	sand.u32 $0x1, s1  }
0x8c: {  	s14 =	sshll.u32 s0, $0xA;
	s2 =	sadd.s32 s3, s2  }
0x8d: {  	s2 =	sadd.s32 s2, s14  }
0x8e: {  	[smem:$0x3FC0] =	sst s2  }
0x8f: {  	_ = 	snop  }
0x90: {  	s2 =	sld [smem:$0x3FD0];
	_ =	sdelay $0x2  }
0x91: {  	s15 =	simm.s32 $0xB;
	s4 =	simm.s32 $0x10  }
0x92: {  	[smem:s4], [sflag:s15] =	dma.local [hbm:s2], $0x1  }
0x93: {  	_ =	swait.eq [sflag:s15], $0x1  }
0x94: {  	[sflag:s15] =	ssyncset.done $0x0  }
0x95: {  	s16 =	sld [smem:$0x16];
	[sflag:s15] =	ssyncadd.s32 $0xFFFFFFFF  }
0x96: {  	s17 =	sld [smem:$0x17];
	(tm) =	ssettm $0x1  }
0x97: {  	s18 =	sld [smem:$0x3FFB];
	_ =	sdelay $0x3  }
0x98: {  	_ =	strace s18  }
0x99: {  	s4 =	sld [smem:$0x3FFC];
	_ =	sdelay $0x3  }
0x9a: {  	_ =	strace s4  }
0x9b: {  	s4 =	sld [smem:$0x3FFD];
	_ =	sdelay $0x3  }
0x9c: {  	_ =	strace s4  }
0x9d: {  	_ =	strace $0x8FFFFFFF  }
0x9e: {  	s19 =	sld [smem:$0x3FDB];
	_ =	sdelay $0x1  }
0x9f: {  	s5 =	simm.s32 $_scs_section_size  }
0xa0: {  	s6 =	simm.s32 $_size__tile_overlayer_lowered;
	s7 =	simm.s32 $_tile_overlayer_lowered  }
0xa1: {  	s22 =	simm.s32 $0x1BFF;
	s21 =	sshll.u32 s7, $0x1;
	s4 =	sadd.s32 s5, s19  }
0xa2: {  	s8 =	simm.s32 $0x0;
	s20 =	sshll.u32 s6, $0x1;
	s6 =	sadd.s32 s21, s4  }
0xa3: {  	[timem:s8], [sflag:s22] =	dma.local [hbm:s6], s20  }
0xa4: {  	_ =	swait.ge [sflag:s22], s20  }
0xa5: {  	s5 =	ssub.s32 $0x0, s20;
	[sflag:s22] =	ssyncset.done $0x0  }
0xa6: {  	[sflag:s22] =	ssyncadd.s32 s5;
	_ =	sdelay $0x1  }
0xa7: {  	s23 =	simm.s32 $0x1B8B  }
0xa8: {  	_ =	swait.ge [sflag:s23], $0x1  }
0xa9: {  	[sflag:s23] =	ssyncset.done $0x0  }
0xaa: {  	s25 =	simm.s32 $0x1B8E;
	s24 =	sld [smem:$0x3FFE];
	[sflag:s23] =	ssyncadd.s32 $0xFFFFFFFF  }
0xab: {  	s26 =	simm.s32 $execute0_lowered;
	[smem:$0x3FD2] =	sst s25  }
0xac: {  	s6 =	sshll.u32 s26, $0x1;
	_ =	strace $0x80000046;
	[dreg:$0x1] =	wrdreg $0xFFFFFFFF  }
0xad: {  	s28 =	simm.s32 $_size_execute0_lowered;
	s4 =	sadd.s32 s4, s6;
	[dreg:$0x0] =	wrdreg $0x0  }
0xae: {  	s6 =	sshll.u32 s28, $0x1;
	[dreg:$0x2] =	wrdreg s4  }
0xaf: {  	[dreg:$0x3] =	wrdreg s6  }
0xb0: {  	[dreg:$0x4] =	wrdreg $0xC0  }
0xb1: {  	_ =	task [dreg:s8], $0x5FFFF  }
0xb2: {  	[dreg:$0x1] =	wrdreg $0xFFFFFFFF  }
0xb3: {  	[dreg:$0x0] =	wrdreg $0x60  }
0xb4: {  	[dreg:$0x2] =	wrdreg s24  }
0xb5: {  	[dreg:$0x3] =	wrdreg s17  }
0xb6: {  	[dreg:$0x4] =	wrdreg s16  }
0xb7: {  	[dreg:$0x5] =	wrdreg $0x0  }
0xb8: {  	[dreg:$0x6] =	wrdreg $0x9  }
0xb9: {  	_ =	task.clear_ibuf [dreg:s8], $0x7FFFF;
	_ =	strace $0x90000046  }
0xba: {  	s29 =	simm.s32 $0x9;
	_ =	strace $0x80000048  }
0xbb: {  	_ =	swait.ge [sflag:s29], $0x1  }
0xbc: {  	[sflag:s29] =	ssyncadd.s32 $0xFFFFFFFF  }
0xbd: {  	_ =	strace $0x90000048  }
0xbe: {  	_ =	sfence  }
0xbf: {  	s30 =	sld [smem:$0x0];
	_ =	sdelay $0x2  }
0xc0: {  	s31 =	sshll.u32 s1, $0xD;
	s1 =	sshrl.u32 s1, $0x2  }
0xc1: {  	s3 =	sand.u32 $0x4000, s31;
	s1 =	sadd.s32 s1, s30  }
0xc2: {  	s0 =	sor.u32 s3, s0;
	s1 =	sshll.u32 s1, $0x11  }
0xc3: {  	s0 =	sor.u32 s1, s0  }
0xc4: {  	s0 =	sadd.s32 $0x8F2B, s0  }
0xc5: {  	[sflag:s0] =	ssyncadd.remote.s32 $0x1  }
0xc6: {  	_ =	sfence.sel $0xFFFF  }
0xc7: {  	[dreg:$0x0] =	wrdreg $0xFFFFFFFF;
	(pc) =	sbr.abs _section_cstart, $3  }
0xc8: {  	[dreg:$0x1] =	wrdreg $0xFFFFFFFF  }
0xc9: {  	_ =	task.clear_ibuf [dreg:s8], $0x2FFFF;
	_ =	strace $0x9FFFFFFF  }
0xca: {  	(tm) =	ssettm $0x7FFFFFFF  }
0xcb: {  	_ =	shalt  }
tec
execute0_lowered:
.L_overlay_start_1:
0x0: {  	(tag) =	ssettag $0x1  }
0x1: {  	s5 =	rddreg [dreg:$0x0]  }
0x2: {  	s6 =	rddreg [dreg:$0x1]  }
0x3: {  	s7 =	rddreg [dreg:$0x2]  }
0x4: {  	s2 =	rddreg [dreg:$0x3]  }
0x5: {  	s0 =	rddreg [dreg:$0x4];
	s1 =	stileid.u32  }
0x6: {  	s4 =	srdreg.scid;
	s3 =	simm.s32 $0x0;
	s15 =	simm.s32 $0x80  }
0x7: {  	s16 =	simm.s32 $0x16400;
	s17 =	simm.s32 $0x13C80;
	s18 =	simm.s32 $0x1A400  }
0x8: {  	s19 =	simm.s32 $0x1;
	s20 =	simm.s32 $0x2;
	s21 =	simm.s32 $0x16300  }
0x9: {  	s22 =	simm.s32 $0x16380;
	s23 =	simm.s32 $0x0;
	s8 =	smul.u32 $0x13C00, s1  }
0xa: {  	s9 =	sand.u32 $0x1, s4;
	[smem:$0x7FF] =	sst s3;
	s4 =	sadd.s32 $0x1A00, s5  }
0xb: {  	s29 =	sshll.u32 s1, $0x1;
	s30 =	smul.u32 $0x4F000, s1;
	s31 =	sshll.u32 s1, $0x6  }
0xc: {  	s10 =	smul.u32 $0x13C000, s9;
	_ =	strace $0x80000047;
	s12 =	ssub.s32 $0x2, s9  }
0xd: {  	s9 =	sor.u32 s9, s29;
	s11 =	sshrl.u32 s8, $0x3;
	s13 =	sshrl.u32 s12, $0x1  }
0xe: {  	s9 =	smul.u32 $0x280, s9;
	s11 =	sadd.s32 s11, s5;
	s8 =	sadd.s32 s8, s10  }
0xf: {  	s12 =	ssub.s32 s12, s13;
	s10 =	sshrl.u32 s30, $0x2;
	s13 =	sor.u32 $0x1C03, s31  }
0x10: {  	s8 =	sshrl.u32 s8, $0x3;
	s14 =	sadd.s32 s10, s2;
	s10 =	simm.s32 $0x13C00  }
0x11: {  	s8 =	sadd.s32 s8, s5;
	s5 =	sadd.s32 s6, s9;
	s6 =	sadd.s32 s7, s9  }
0x12: {  	s7 =	sadd.s32 $0x28C00, s11;
	s9 =	smax.u32 s12, $0x1;
	s11 =	simm.s32 $0x3  }
0x13: {  	s12 =	simm.s32 $0x15000;
	s14 =	sshrl.u32 s14, $0x3;
	s8 =	sadd.s32 $0x50400, s8  }
.LBB2_1:
0x14: {  	[tilespmem:s10], [sflag:$0x3] =	stream.linear.gather [hbm4b:s5+s3], $0x1400, $0x38;
	[tilespmem:$0x1E400] =	vst v63  }
0x15: {  	_ =	swait.ge [sflag:s11], $0x1400  }
0x16: {  	[sflag:s11] =	ssyncset.done $0x0  }
0x17: {  	[sflag:s11] =	ssyncadd.s32 $0xFFFFEC00  }
0x18: {  	[tilespmem:s12], [sflag:$0x3] =	stream.linear.gather [hbm4b:s6+s3], $0x1400, $0x38;
	[tilespmem:$0x1E400] =	vst v63  }
0x19: {  	_ =	swait.ge [sflag:s11], $0x1400  }
0x1a: {  	[sflag:s11] =	ssyncset.done $0x0  }
0x1b: {  	[sflag:s11] =	ssyncadd.s32 $0xFFFFEC00  }
0x1c: {  	[spmem:s14], [sflag:s13] =	dma.local [hbm:s7], $0x2780  }
0x1d: {  	_ =	swait.ge [sflag:s11], $0x2780  }
0x1e: {  	[sflag:s11] =	ssyncset.done $0x0  }
0x1f: {  	[sflag:s11] =	ssyncadd.s32 $0xFFFFD880  }
0x20: {  	[bflag:$0x0] =	sbarrier.arrive $0xFFFF  }
0x21: {  	[tilespmem:s16], [sflag:$0x1] =	stream.indirect.gather [hbm4b:s4+s15], $0x80, s10, s15, $0xb8;
	[tilespmem:$0x1E400] =	vst v63  }
0x22: {  	_ = 	snop  }
0x23: {  	[tilespmem:s18], [sflag:$0x2] =	stream.indirect.gather [hbm4b:s4+s15], $0x80, s17, s15, $0xb8;
	[tilespmem:$0x1E400] =	vst v63  }
0x24: {  	_ =	swait.ge [sflag:s19], $0x4000  }
0x25: {  	[sflag:s19] =	ssyncset.done $0x0  }
0x26: {  	s24 =	simm.s32 $0x15000;
	[sflag:s19] =	ssyncadd.s32 $0xFFFFC000  }
0x27: {  	[spmem:s2] =	stream.indirect.scatter.add.f32 [tilespmem:s16], [sflag:$0x3], $0x80, s24, s15, $0xb8;
	[tilespmem:$0x1E400] =	vst v63  }
0x28: {  	_ =	swait.ge [sflag:s11], $0x4000  }
0x29: {  	[sflag:s11] =	ssyncset.done $0x0  }
0x2a: {  	s30 =	simm.s32 $0x13D00;
	[sflag:s11] =	ssyncadd.s32 $0xFFFFC000  }
0x2b: {  	[tilespmem:s16], [sflag:$0x1] =	stream.indirect.gather [hbm4b:s4+s15], $0x80, s30, s15, $0xb8;
	[tilespmem:$0x1E400] =	vst v63  }
0x2c: {  	_ =	swait.ge [sflag:s20], $0x4000  }
0x2d: {  	[sflag:s20] =	ssyncset.done $0x0  }
0x2e: {  	s31 =	simm.s32 $0x15080;
	[sflag:s20] =	ssyncadd.s32 $0xFFFFC000  }
0x2f: {  	[spmem:s2] =	stream.indirect.scatter.add.f32 [tilespmem:s18], [sflag:$0x3], $0x80, s31, s15, $0xb8;
	[tilespmem:$0x1E400] =	vst v63  }
0x30: {  	_ =	swait.ge [sflag:s11], $0x4000  }
0x31: {  	[sflag:s11] =	ssyncset.done $0x0  }
0x32: {  	s25 =	simm.s32 $0x13D80;
	s24 =	simm.s32 $0x400;
	[sflag:s11] =	ssyncadd.s32 $0xFFFFC000  }
.LBB2_2:
0x33: {  	[tilespmem:s18], [sflag:$0x2] =	stream.indirect.gather [hbm4b:s4+s15], $0x80, s25, s15, $0xb8;
	[tilespmem:$0x1E400] =	vst v63  }
0x34: {  	s25 =	smov.u32 s24  }
0x35: {  	p0 =	sne.s32 s24, $0x4800;
	s24 =	sadd.s32 $0x400, s24;
	_ =	swait.ge [sflag:s19], $0x4000  }
0x36: {  	s25 =	sshra.s32 s25, $0x2;
	[sflag:s19] =	ssyncset.done $0x0  }
0x37: {  	s26 =	sadd.s32 $0x15000, s25;
	[sflag:s19] =	ssyncadd.s32 $0xFFFFC000  }
0x38: {  	[spmem:s2] =	stream.indirect.scatter.add.f32 [tilespmem:s16], [sflag:$0x3], $0x80, s26, s15, $0xb8;
	[tilespmem:$0x1E400] =	vst v63  }
0x39: {  	_ =	swait.ge [sflag:s11], $0x4000  }
0x3a: {  	[sflag:s11] =	ssyncset.done $0x0  }
0x3b: {  	s26 =	sadd.s32 $0x13D00, s25;
	[sflag:s11] =	ssyncadd.s32 $0xFFFFC000  }
0x3c: {  	[tilespmem:s16], [sflag:$0x1] =	stream.indirect.gather [hbm4b:s4+s15], $0x80, s26, s15, $0xb8;
	[tilespmem:$0x1E400] =	vst v63  }
0x3d: {  	_ =	swait.ge [sflag:s20], $0x4000  }
0x3e: {  	[sflag:s20] =	ssyncset.done $0x0  }
.Ltmp0:
0x3f: {  	s26 =	sadd.s32 $0x15080, s25;
	[sflag:s20] =	ssyncadd.s32 $0xFFFFC000;
	(pc) =	sbr.rel @p0 .LBB2_2-.Ltmp0, $4  }
0x40: {  	[spmem:s2] =	stream.indirect.scatter.add.f32 [tilespmem:s18], [sflag:$0x3], $0x80, s26, s15, $0xb8;
	[tilespmem:$0x1E400] =	vst v63  }
0x41: {  	_ =	swait.ge [sflag:s11], $0x4000  }
0x42: {  	[sflag:s11] =	ssyncset.done $0x0  }
0x43: {  	s25 =	sadd.s32 $0x13D80, s25;
	[sflag:s11] =	ssyncadd.s32 $0xFFFFC000  }
0x44: {  	[tilespmem:s18], [sflag:$0x2] =	stream.indirect.gather [hbm4b:s4+s15], $0x80, s25, s15, $0xb8;
	[tilespmem:$0x1E400] =	vst v63  }
0x45: {  	_ =	swait.ge [sflag:s19], $0x4000  }
0x46: {  	[sflag:s19] =	ssyncset.done $0x0  }
0x47: {  	[sflag:s19] =	ssyncadd.s32 $0xFFFFC000  }
0x48: {  	[spmem:s2] =	stream.indirect.scatter.add.f32 [tilespmem:s16], [sflag:$0x3], $0x80, s21, s15, $0xb8;
	[tilespmem:$0x1E400] =	vst v63  }
0x49: {  	_ =	swait.ge [sflag:s11], $0x4000  }
0x4a: {  	[sflag:s11] =	ssyncset.done $0x0  }
0x4b: {  	[sflag:s11] =	ssyncadd.s32 $0xFFFFC000  }
0x4c: {  	_ =	swait.ge [sflag:s20], $0x4000  }
0x4d: {  	[sflag:s20] =	ssyncset.done $0x0  }
0x4e: {  	[sflag:s20] =	ssyncadd.s32 $0xFFFFC000  }
0x4f: {  	[spmem:s2] =	stream.indirect.scatter.add.f32 [tilespmem:s18], [sflag:$0x3], $0x80, s22, s15, $0xb8;
	[tilespmem:$0x1E400] =	vst v63  }
0x50: {  	_ =	swait.ge [sflag:s11], $0x4000  }
0x51: {  	s23 =	sadd.s32 $0x1, s23;
	[sflag:s11] =	ssyncset.done $0x0  }
0x52: {  	p0 =	sne.s32 s23, s9;
	[sflag:s11] =	ssyncadd.s32 $0xFFFFC000  }
.Ltmp1:
0x53: {  	[bflag:$0x0] =	sbarrier.arrive $0xFFFF;
	(pc) =	sbr.rel @p0 .LBB2_1-.Ltmp1, $4  }
0x54: {  	[hbm:s8], [sflag:s13] =	dma.local [spmem:s14], $0x2780  }
0x55: {  	_ =	swait.ge [sflag:s11], $0x2780  }
0x56: {  	[sflag:s11] =	ssyncset.done $0x0  }
0x57: {  	[sflag:s11] =	ssyncadd.s32 $0xFFFFD880  }
0x58: {  	_ =	sfence.sel $0x180000  }
0x59: {  	[bflag:$0x0] =	sbarrier.arrive $0xFFFF  }
0x5a: {  	p0 =	sne.s32 s1, $0x0;
	_ =	strace $0x90000047  }
0x5b: {  	s0 =	sadd.s32 @!p0 $0x100000, s0;
	[bflag:$0x2] =	sbarrier.arrive $0xFFFF  }
0x5c: {  	[sflag:s0] =	ssyncadd.tile.s32 @!p0 $0x1;
	_ =	shalt  }
.Lfunc_end2:
_tile_overlayer_lowered:
.L_overlay_start_2:
0x5d: {  	(tag) =	ssettag $0x2  }
0x5e: {  	s0 =	rddreg [dreg:$0x0];
	s2 =	stileid.u32  }
0x5f: {  	s1 =	rddreg [dreg:$0x1];
	p0 =	sne.s32 s2, $0x0  }
0x60: {  	s3 =	rddreg [dreg:$0x2];
	[bflag:$0x3] =	sbarrier.arrive $0xFFFF;
	s2 =	simm.s32 @!p0 $0x1C03  }
0x61: {  	[timem:s3], [sflag:s2] =	dma.local @!p0 [hbm:s0], s1  }
0x62: {  	s0 =	simm.s32 @!p0 $0x3  }
0x63: {  	_ =	swait.ge @!p0 [sflag:s0], s1  }
0x64: {  	s1 =	ssub.s32 @!p0 $0x0, s1;
	[sflag:s0] =	ssyncset.done @!p0 $0x0  }
0x65: {  	[sflag:s0] =	ssyncadd.s32 @!p0 s1  }
0x66: {  	[bflag:$0x3] =	sbarrier.arrive $0xFFFF  }
0x67: {  	_ =	shalt  }

// kernel: kernel.14.cloned.1.call-start
scs
__scs_entry_jumppad:
0x0: {  	(pc) =	sbr.rel $0x88, $3  }
0x1: {  	(tag) =	ssettag $0x0;
	lr =	simm.s32 $0x1  }
0x2: {  	[smem:$0x3F99] =	sst lr;
	_ =	strace $0xD0000000  }
0x3: {  	_ = 	snop  }
0x4: {  	_ = 	snop  }
0x5: {  	_ = 	snop  }
0x6: {  	_ = 	snop  }
0x7: {  	_ = 	snop  }
__scs_overlays_trampoline_lowered:
0x8: {  	[smem:$0x3FA8] =	sst s0  }
0x9: {  	[smem:$0x3FA9] =	sst s1  }
0xa: {  	[smem:$0x3FAA] =	sst s2  }
0xb: {  	[smem:$0x3FAB] =	sst s3  }
0xc: {  	[smem:$0x3FAC] =	sst s4  }
0xd: {  	[smem:$0x3FAD] =	sst s5  }
0xe: {  	[smem:$0x3FAE] =	sst s6  }
0xf: {  	[smem:$0x3FAF] =	sst s7  }
0x10: {  	[smem:$0x3FB0] =	sst s8  }
0x11: {  	[smem:$0x3FB1] =	sst s9;
	s0 =	simm.s32 @!p0 $0x0  }
0x12: {  	s1 =	sld [smem:$0x3F97];
	s0 =	simm.s32 @p0 $0x1  }
0x13: {  	[smem:$0x3FB2] =	sst s0;
	s0 =	simm.s32 @!p1 $0x0  }
0x14: {  	s2 =	sld [smem:$0x3F96];
	s0 =	simm.s32 @p1 $0x1  }
0x15: {  	[smem:$0x3FB3] =	sst s0;
	s0 =	simm.s32 @!p2 $0x0  }
0x16: {  	s3 =	sld [smem:$0x3FDB];
	s0 =	simm.s32 @p2 $0x1  }
0x17: {  	s4 =	simm.s32 $0x1BF5;
	[smem:$0x3FB5] =	sst s0  }
0x18: {  	s0 =	sld [smem:$0x3F98];
	_ =	swait.ge [sflag:s4], $0x0  }
0x19: {  	s7 =	sld [smem:$0x3F99]  }
0x1a: {  	s8 =	sadd.s32 $0xFFFFE003, lr  }
0x1b: {  	s9 =	sadd.s32 $0xFFFFFEF7, lr;
	s5 =	simm.s32 $0xFFFFFFFF;
	p2 =	slt.u32 s8, $0xFFFFF086  }
0x1c: {  	p1 =	slt.u32 s9, $0xF7A;
	s5 =	simm.s32 @!p2 $0x0  }
0x1d: {  	s5 =	simm.s32 @p1 $0x1;
	p0 =	seq.s32 s7, s2  }
0x1e: {  	s7 =	smul.u32 @!p0 $0xF7A, s2;
	p2 =	seq.s32 @!p0 s5, $0x0  }
0x1f: {  	s9 =	smul.u32 $0xF7A, s1;
	s8 =	simm.s32 @!p0 $0x1BF5;
	p2 =	por !p2, p0  }
0x20: {  	[sflag:s8] =	ssyncset.s32 @!p0 $0xFFFFF086;
	s6 =	sadd.s32 @!p0 s3, s7;
	s7 =	simm.s32 @!p0 $0x108  }
0x21: {  	s3 =	sadd.s32 s3, s9;
	s6 =	sadd.s32 @!p0 $0x88, s6;
	s7 =	simm.s32 @p2 $0x1082  }
0x22: {  	[simem:s7], [sflag:s8] =	dma.local @!p0 [hbm:s6], $0xF7A  }
0x23: {  	s9 =	sor.u32 $0xD0000000, s2;
	s6 =	simm.s32 $0x108;
	_ =	swait.ge @!p0 [sflag:s8], $0x0  }
0x24: {  	s3 =	sadd.s32 $0x88, s3;
	s6 =	simm.s32 @!p1 $0x1082;
	[sflag:s4] =	ssyncset.s32 $0xFFFFF086  }
0x25: {  	[simem:s6], [sflag:s4] =	dma.local [hbm:s3], $0xF7A  }
0x26: {  	[smem:$0x3F99] =	sst s1;
	(tag) =	ssettag s2;
	_ =	strace s9  }
0x27: {  	s1 =	sld [smem:$0x3FA9]  }
0x28: {  	s2 =	sld [smem:$0x3FAA]  }
0x29: {  	s4 =	sld [smem:$0x3FAC]  }
0x2a: {  	p0 =	seq.s32 s5, $0x0;
	s5 =	sld [smem:$0x3FAD]  }
0x2b: {  	s6 =	sld [smem:$0x3FAE]  }
0x2c: {  	s7 =	sld [smem:$0x3FAF]  }
0x2d: {  	s3 =	simm.s32 $0x108;
	s8 =	sld [smem:$0x3FB0]  }
0x2e: {  	s3 =	simm.s32 @!p0 $0x1082;
	s9 =	sld [smem:$0x3FB1]  }
0x2f: {  	lr =	sadd.s32 s0, s3;
	s0 =	sld [smem:$0x3FA8]  }
0x30: {  	s3 =	sld [smem:$0x3FAB]  }
0x31: {  	[smem:$0x3FB4] =	sst s10  }
0x32: {  	s10 =	sld [smem:$0x3FB2];
	_ =	sdelay $0x3  }
0x33: {  	p0 =	seq.s32 s10, $0x1;
	s10 =	sld [smem:$0x3FB4];
	_ =	sdelay $0x3  }
0x34: {  	[smem:$0x3FB4] =	sst s10  }
0x35: {  	s10 =	sld [smem:$0x3FB3];
	_ =	sdelay $0x3  }
0x36: {  	p1 =	seq.s32 s10, $0x1;
	s10 =	sld [smem:$0x3FB4];
	_ =	sdelay $0x3  }
0x37: {  	[smem:$0x3FB4] =	sst s10  }
0x38: {  	s10 =	sld [smem:$0x3FB5]  }
0x39: {  	_ = 	snop;
	(pc) =	sbr.ind lr, $3  }
0x3a: {  	_ = 	snop  }
0x3b: {  	_ = 	snop  }
0x3c: {  	p2 =	seq.s32 s10, $0x1;
	s10 =	sld [smem:$0x3FB4]  }
0x3d: {  	_ =	shalt  }
0x3e: {  	_ =	shalt  }
0x3f: {  	_ =	shalt  }
0x40: {  	_ =	shalt  }
0x41: {  	_ =	shalt  }
0x42: {  	_ =	shalt  }
0x43: {  	_ =	shalt  }
0x44: {  	_ =	shalt  }
0x45: {  	_ =	shalt  }
0x46: {  	_ =	shalt  }
0x47: {  	_ =	shalt  }
0x48: {  	_ =	shalt  }
0x49: {  	_ =	shalt  }
0x4a: {  	_ =	shalt  }
0x4b: {  	_ =	shalt  }
0x4c: {  	_ =	shalt  }
0x4d: {  	_ =	shalt  }
0x4e: {  	_ =	shalt  }
0x4f: {  	_ =	shalt  }
0x50: {  	_ =	shalt  }
0x51: {  	_ =	shalt  }
0x52: {  	_ =	shalt  }
0x53: {  	_ =	shalt  }
0x54: {  	_ =	shalt  }
0x55: {  	_ =	shalt  }
0x56: {  	_ =	shalt  }
0x57: {  	_ =	shalt  }
0x58: {  	_ =	shalt  }
0x59: {  	_ =	shalt  }
0x5a: {  	_ =	shalt  }
0x5b: {  	_ =	shalt  }
0x5c: {  	_ =	shalt  }
0x5d: {  	_ =	shalt  }
0x5e: {  	_ =	shalt  }
0x5f: {  	_ =	shalt  }
0x60: {  	_ =	shalt  }
0x61: {  	_ =	shalt  }
0x62: {  	_ =	shalt  }
0x63: {  	_ =	shalt  }
0x64: {  	_ =	shalt  }
0x65: {  	_ =	shalt  }
0x66: {  	_ =	shalt  }
0x67: {  	_ =	shalt  }
0x68: {  	_ =	shalt  }
0x69: {  	_ =	shalt  }
0x6a: {  	_ =	shalt  }
0x6b: {  	_ =	shalt  }
0x6c: {  	_ =	shalt  }
0x6d: {  	_ =	shalt  }
0x6e: {  	_ =	shalt  }
0x6f: {  	_ =	shalt  }
0x70: {  	_ =	shalt  }
0x71: {  	_ =	shalt  }
0x72: {  	_ =	shalt  }
0x73: {  	_ =	shalt  }
0x74: {  	_ =	shalt  }
0x75: {  	_ =	shalt  }
0x76: {  	_ =	shalt  }
0x77: {  	_ =	shalt  }
0x78: {  	_ =	shalt  }
0x79: {  	_ =	shalt  }
0x7a: {  	_ =	shalt  }
0x7b: {  	_ =	shalt  }
0x7c: {  	_ =	shalt  }
0x7d: {  	_ =	shalt  }
0x7e: {  	_ =	shalt  }
0x7f: {  	_ =	shalt  }
0x80: {  	_ =	shalt  }
0x81: {  	_ =	shalt  }
0x82: {  	_ =	shalt  }
0x83: {  	_ =	shalt  }
0x84: {  	_ =	shalt  }
0x85: {  	_ =	shalt  }
0x86: {  	_ =	shalt  }
0x87: {  	_ =	shalt  }
.Lfunc_end0:
.L_simem_size_0:
called_computation.1_lowered:
.L_overlay_start_0:
0x88: {  	s2 =	sld [smem:$0x3FD9]  }
0x89: {  	s3 =	sld [smem:$0x3FFE];
	_ =	sdelay $0x1  }
0x8a: {  	s1 =	srdreg.scid  }
0x8b: {  	s0 =	sand.u32 $0x1, s1  }
0x8c: {  	s14 =	sshll.u32 s0, $0xA;
	s2 =	sadd.s32 s3, s2  }
0x8d: {  	s2 =	sadd.s32 s2, s14  }
0x8e: {  	[smem:$0x3FC0] =	sst s2  }
0x8f: {  	_ = 	snop  }
0x90: {  	s2 =	sld [smem:$0x3FD0];
	_ =	sdelay $0x2  }
0x91: {  	s15 =	simm.s32 $0xB;
	s4 =	simm.s32 $0x10  }
0x92: {  	[smem:s4], [sflag:s15] =	dma.local [hbm:s2], $0x1  }
0x93: {  	_ =	swait.eq [sflag:s15], $0x1  }
0x94: {  	[sflag:s15] =	ssyncset.done $0x0  }
0x95: {  	s16 =	sld [smem:$0x16];
	[sflag:s15] =	ssyncadd.s32 $0xFFFFFFFF  }
0x96: {  	s17 =	sld [smem:$0x17];
	(tm) =	ssettm $0x1  }
0x97: {  	s18 =	sld [smem:$0x3FFB];
	_ =	sdelay $0x3  }
0x98: {  	_ =	strace s18  }
0x99: {  	s4 =	sld [smem:$0x3FFC];
	_ =	sdelay $0x3  }
0x9a: {  	_ =	strace s4  }
0x9b: {  	s4 =	sld [smem:$0x3FFD];
	_ =	sdelay $0x3  }
0x9c: {  	_ =	strace s4  }
0x9d: {  	_ =	strace $0x8FFFFFFF  }
0x9e: {  	s19 =	sld [smem:$0x3FDB];
	_ =	sdelay $0x1  }
0x9f: {  	s5 =	simm.s32 $_scs_section_size  }
0xa0: {  	s6 =	simm.s32 $_size__tile_overlayer_lowered;
	s7 =	simm.s32 $_tile_overlayer_lowered  }
0xa1: {  	s22 =	simm.s32 $0x1BFF;
	s21 =	sshll.u32 s7, $0x1;
	s4 =	sadd.s32 s5, s19  }
0xa2: {  	s8 =	simm.s32 $0x0;
	s20 =	sshll.u32 s6, $0x1;
	s6 =	sadd.s32 s21, s4  }
0xa3: {  	[timem:s8], [sflag:s22] =	dma.local [hbm:s6], s20  }
0xa4: {  	_ =	swait.ge [sflag:s22], s20  }
0xa5: {  	s5 =	ssub.s32 $0x0, s20;
	[sflag:s22] =	ssyncset.done $0x0  }
0xa6: {  	[sflag:s22] =	ssyncadd.s32 s5;
	_ =	sdelay $0x1  }
0xa7: {  	s23 =	simm.s32 $0x1B8B  }
0xa8: {  	_ =	swait.ge [sflag:s23], $0x1  }
0xa9: {  	[sflag:s23] =	ssyncset.done $0x0  }
0xaa: {  	s25 =	simm.s32 $0x1B8E;
	s24 =	sld [smem:$0x3FFE];
	[sflag:s23] =	ssyncadd.s32 $0xFFFFFFFF  }
0xab: {  	s26 =	simm.s32 $execute0_lowered;
	[smem:$0x3FD2] =	sst s25  }
0xac: {  	s6 =	sshll.u32 s26, $0x1;
	_ =	strace $0x80000049;
	[dreg:$0x1] =	wrdreg $0xFFFFFFFF  }
0xad: {  	s28 =	simm.s32 $_size_execute0_lowered;
	s4 =	sadd.s32 s4, s6;
	[dreg:$0x0] =	wrdreg $0x0  }
0xae: {  	s6 =	sshll.u32 s28, $0x1;
	[dreg:$0x2] =	wrdreg s4  }
0xaf: {  	[dreg:$0x3] =	wrdreg s6  }
0xb0: {  	[dreg:$0x4] =	wrdreg $0xC0  }
0xb1: {  	_ =	task [dreg:s8], $0x5FFFF  }
0xb2: {  	[dreg:$0x1] =	wrdreg $0xFFFFFFFF  }
0xb3: {  	[dreg:$0x0] =	wrdreg $0x60  }
0xb4: {  	[dreg:$0x2] =	wrdreg s24  }
0xb5: {  	[dreg:$0x3] =	wrdreg s17  }
0xb6: {  	[dreg:$0x4] =	wrdreg s16  }
0xb7: {  	[dreg:$0x5] =	wrdreg $0x0  }
0xb8: {  	[dreg:$0x6] =	wrdreg $0x9  }
0xb9: {  	_ =	task.clear_ibuf [dreg:s8], $0x7FFFF;
	_ =	strace $0x90000049  }
0xba: {  	s29 =	simm.s32 $0x9;
	_ =	strace $0x8000004B  }
0xbb: {  	_ =	swait.ge [sflag:s29], $0x1  }
0xbc: {  	[sflag:s29] =	ssyncadd.s32 $0xFFFFFFFF  }
0xbd: {  	_ =	strace $0x9000004B  }
0xbe: {  	_ =	sfence  }
0xbf: {  	s30 =	sld [smem:$0x0];
	_ =	sdelay $0x2  }
0xc0: {  	s31 =	sshll.u32 s1, $0xD;
	s1 =	sshrl.u32 s1, $0x2  }
0xc1: {  	s3 =	sand.u32 $0x4000, s31;
	s1 =	sadd.s32 s1, s30  }
0xc2: {  	s0 =	sor.u32 s3, s0;
	s1 =	sshll.u32 s1, $0x11  }
0xc3: {  	s0 =	sor.u32 s1, s0  }
0xc4: {  	s0 =	sadd.s32 $0x8F2B, s0  }
0xc5: {  	[sflag:s0] =	ssyncadd.remote.s32 $0x1  }
0xc6: {  	_ =	sfence.sel $0xFFFF  }
0xc7: {  	[dreg:$0x0] =	wrdreg $0xFFFFFFFF;
	(pc) =	sbr.abs _section_cstart, $3  }
0xc8: {  	[dreg:$0x1] =	wrdreg $0xFFFFFFFF  }
0xc9: {  	_ =	task.clear_ibuf [dreg:s8], $0x2FFFF;
	_ =	strace $0x9FFFFFFF  }
0xca: {  	(tm) =	ssettm $0x7FFFFFFF  }
0xcb: {  	_ =	shalt  }
tec
execute0_lowered:
.L_overlay_start_1:
0x0: {  	(tag) =	ssettag $0x1  }
0x1: {  	s5 =	rddreg [dreg:$0x0]  }
0x2: {  	s6 =	rddreg [dreg:$0x1]  }
0x3: {  	s7 =	rddreg [dreg:$0x2]  }
0x4: {  	s2 =	rddreg [dreg:$0x3]  }
0x5: {  	s0 =	rddreg [dreg:$0x4];
	s1 =	stileid.u32  }
0x6: {  	s4 =	srdreg.scid;
	s3 =	simm.s32 $0x0;
	s15 =	simm.s32 $0x80  }
0x7: {  	s16 =	simm.s32 $0x16400;
	s17 =	simm.s32 $0x13C80;
	s18 =	simm.s32 $0x1A400  }
0x8: {  	s19 =	simm.s32 $0x1;
	s20 =	simm.s32 $0x2;
	s21 =	simm.s32 $0x16300  }
0x9: {  	s22 =	simm.s32 $0x16380;
	s23 =	simm.s32 $0x0;
	s8 =	smul.u32 $0x13C00, s1  }
0xa: {  	s9 =	sand.u32 $0x1, s4;
	[smem:$0x7FF] =	sst s3;
	s4 =	sadd.s32 $0x1A00, s5  }
0xb: {  	s29 =	sshll.u32 s1, $0x1;
	s30 =	smul.u32 $0x4F000, s1;
	s31 =	sshll.u32 s1, $0x6  }
0xc: {  	s10 =	smul.u32 $0x13C000, s9;
	_ =	strace $0x8000004A;
	s12 =	ssub.s32 $0x2, s9  }
0xd: {  	s9 =	sor.u32 s9, s29;
	s11 =	sshrl.u32 s8, $0x3;
	s13 =	sshrl.u32 s12, $0x1  }
0xe: {  	s9 =	smul.u32 $0x280, s9;
	s11 =	sadd.s32 s11, s5;
	s8 =	sadd.s32 s8, s10  }
0xf: {  	s12 =	ssub.s32 s12, s13;
	s10 =	sshrl.u32 s30, $0x2;
	s13 =	sor.u32 $0x1C03, s31  }
0x10: {  	s8 =	sshrl.u32 s8, $0x3;
	s14 =	sadd.s32 s10, s2;
	s10 =	simm.s32 $0x13C00  }
0x11: {  	s8 =	sadd.s32 s8, s5;
	s5 =	sadd.s32 s6, s9;
	s6 =	sadd.s32 s7, s9  }
0x12: {  	s7 =	sadd.s32 $0x28C00, s11;
	s9 =	smax.u32 s12, $0x1;
	s11 =	simm.s32 $0x3  }
0x13: {  	s12 =	simm.s32 $0x15000;
	s14 =	sshrl.u32 s14, $0x3;
	s8 =	sadd.s32 $0x50400, s8  }
.LBB2_1:
0x14: {  	[tilespmem:s10], [sflag:$0x3] =	stream.linear.gather [hbm4b:s5+s3], $0x1400, $0x38;
	[tilespmem:$0x1E400] =	vst v63  }
0x15: {  	_ =	swait.ge [sflag:s11], $0x1400  }
0x16: {  	[sflag:s11] =	ssyncset.done $0x0  }
0x17: {  	[sflag:s11] =	ssyncadd.s32 $0xFFFFEC00  }
0x18: {  	[tilespmem:s12], [sflag:$0x3] =	stream.linear.gather [hbm4b:s6+s3], $0x1400, $0x38;
	[tilespmem:$0x1E400] =	vst v63  }
0x19: {  	_ =	swait.ge [sflag:s11], $0x1400  }
0x1a: {  	[sflag:s11] =	ssyncset.done $0x0  }
0x1b: {  	[sflag:s11] =	ssyncadd.s32 $0xFFFFEC00  }
0x1c: {  	[spmem:s14], [sflag:s13] =	dma.local [hbm:s7], $0x2780  }
0x1d: {  	_ =	swait.ge [sflag:s11], $0x2780  }
0x1e: {  	[sflag:s11] =	ssyncset.done $0x0  }
0x1f: {  	[sflag:s11] =	ssyncadd.s32 $0xFFFFD880  }
0x20: {  	[bflag:$0x0] =	sbarrier.arrive $0xFFFF  }
0x21: {  	[tilespmem:s16], [sflag:$0x1] =	stream.indirect.gather [hbm4b:s4+s15], $0x80, s10, s15, $0xb8;
	[tilespmem:$0x1E400] =	vst v63  }
0x22: {  	_ = 	snop  }
0x23: {  	[tilespmem:s18], [sflag:$0x2] =	stream.indirect.gather [hbm4b:s4+s15], $0x80, s17, s15, $0xb8;
	[tilespmem:$0x1E400] =	vst v63  }
0x24: {  	_ =	swait.ge [sflag:s19], $0x4000  }
0x25: {  	[sflag:s19] =	ssyncset.done $0x0  }
0x26: {  	s24 =	simm.s32 $0x15000;
	[sflag:s19] =	ssyncadd.s32 $0xFFFFC000  }
0x27: {  	[spmem:s2] =	stream.indirect.scatter.add.f32 [tilespmem:s16], [sflag:$0x3], $0x80, s24, s15, $0xb8;
	[tilespmem:$0x1E400] =	vst v63  }
0x28: {  	_ =	swait.ge [sflag:s11], $0x4000  }
0x29: {  	[sflag:s11] =	ssyncset.done $0x0  }
0x2a: {  	s30 =	simm.s32 $0x13D00;
	[sflag:s11] =	ssyncadd.s32 $0xFFFFC000  }
0x2b: {  	[tilespmem:s16], [sflag:$0x1] =	stream.indirect.gather [hbm4b:s4+s15], $0x80, s30, s15, $0xb8;
	[tilespmem:$0x1E400] =	vst v63  }
0x2c: {  	_ =	swait.ge [sflag:s20], $0x4000  }
0x2d: {  	[sflag:s20] =	ssyncset.done $0x0  }
0x2e: {  	s31 =	simm.s32 $0x15080;
	[sflag:s20] =	ssyncadd.s32 $0xFFFFC000  }
0x2f: {  	[spmem:s2] =	stream.indirect.scatter.add.f32 [tilespmem:s18], [sflag:$0x3], $0x80, s31, s15, $0xb8;
	[tilespmem:$0x1E400] =	vst v63  }
0x30: {  	_ =	swait.ge [sflag:s11], $0x4000  }
0x31: {  	[sflag:s11] =	ssyncset.done $0x0  }
0x32: {  	s25 =	simm.s32 $0x13D80;
	s24 =	simm.s32 $0x400;
	[sflag:s11] =	ssyncadd.s32 $0xFFFFC000  }
.LBB2_2:
0x33: {  	[tilespmem:s18], [sflag:$0x2] =	stream.indirect.gather [hbm4b:s4+s15], $0x80, s25, s15, $0xb8;
	[tilespmem:$0x1E400] =	vst v63  }
0x34: {  	s25 =	smov.u32 s24  }
0x35: {  	p0 =	sne.s32 s24, $0x4800;
	s24 =	sadd.s32 $0x400, s24;
	_ =	swait.ge [sflag:s19], $0x4000  }
0x36: {  	s25 =	sshra.s32 s25, $0x2;
	[sflag:s19] =	ssyncset.done $0x0  }
0x37: {  	s26 =	sadd.s32 $0x15000, s25;
	[sflag:s19] =	ssyncadd.s32 $0xFFFFC000  }
0x38: {  	[spmem:s2] =	stream.indirect.scatter.add.f32 [tilespmem:s16], [sflag:$0x3], $0x80, s26, s15, $0xb8;
	[tilespmem:$0x1E400] =	vst v63  }
0x39: {  	_ =	swait.ge [sflag:s11], $0x4000  }
0x3a: {  	[sflag:s11] =	ssyncset.done $0x0  }
0x3b: {  	s26 =	sadd.s32 $0x13D00, s25;
	[sflag:s11] =	ssyncadd.s32 $0xFFFFC000  }
0x3c: {  	[tilespmem:s16], [sflag:$0x1] =	stream.indirect.gather [hbm4b:s4+s15], $0x80, s26, s15, $0xb8;
	[tilespmem:$0x1E400] =	vst v63  }
0x3d: {  	_ =	swait.ge [sflag:s20], $0x4000  }
0x3e: {  	[sflag:s20] =	ssyncset.done $0x0  }
.Ltmp0:
0x3f: {  	s26 =	sadd.s32 $0x15080, s25;
	[sflag:s20] =	ssyncadd.s32 $0xFFFFC000;
	(pc) =	sbr.rel @p0 .LBB2_2-.Ltmp0, $4  }
0x40: {  	[spmem:s2] =	stream.indirect.scatter.add.f32 [tilespmem:s18], [sflag:$0x3], $0x80, s26, s15, $0xb8;
	[tilespmem:$0x1E400] =	vst v63  }
0x41: {  	_ =	swait.ge [sflag:s11], $0x4000  }
0x42: {  	[sflag:s11] =	ssyncset.done $0x0  }
0x43: {  	s25 =	sadd.s32 $0x13D80, s25;
	[sflag:s11] =	ssyncadd.s32 $0xFFFFC000  }
0x44: {  	[tilespmem:s18], [sflag:$0x2] =	stream.indirect.gather [hbm4b:s4+s15], $0x80, s25, s15, $0xb8;
	[tilespmem:$0x1E400] =	vst v63  }
0x45: {  	_ =	swait.ge [sflag:s19], $0x4000  }
0x46: {  	[sflag:s19] =	ssyncset.done $0x0  }
0x47: {  	[sflag:s19] =	ssyncadd.s32 $0xFFFFC000  }
0x48: {  	[spmem:s2] =	stream.indirect.scatter.add.f32 [tilespmem:s16], [sflag:$0x3], $0x80, s21, s15, $0xb8;
	[tilespmem:$0x1E400] =	vst v63  }
0x49: {  	_ =	swait.ge [sflag:s11], $0x4000  }
0x4a: {  	[sflag:s11] =	ssyncset.done $0x0  }
0x4b: {  	[sflag:s11] =	ssyncadd.s32 $0xFFFFC000  }
0x4c: {  	_ =	swait.ge [sflag:s20], $0x4000  }
0x4d: {  	[sflag:s20] =	ssyncset.done $0x0  }
0x4e: {  	[sflag:s20] =	ssyncadd.s32 $0xFFFFC000  }
0x4f: {  	[spmem:s2] =	stream.indirect.scatter.add.f32 [tilespmem:s18], [sflag:$0x3], $0x80, s22, s15, $0xb8;
	[tilespmem:$0x1E400] =	vst v63  }
0x50: {  	_ =	swait.ge [sflag:s11], $0x4000  }
0x51: {  	s23 =	sadd.s32 $0x1, s23;
	[sflag:s11] =	ssyncset.done $0x0  }
0x52: {  	p0 =	sne.s32 s23, s9;
	[sflag:s11] =	ssyncadd.s32 $0xFFFFC000  }
.Ltmp1:
0x53: {  	[bflag:$0x0] =	sbarrier.arrive $0xFFFF;
	(pc) =	sbr.rel @p0 .LBB2_1-.Ltmp1, $4  }
0x54: {  	[hbm:s8], [sflag:s13] =	dma.local [spmem:s14], $0x2780  }
0x55: {  	_ =	swait.ge [sflag:s11], $0x2780  }
0x56: {  	[sflag:s11] =	ssyncset.done $0x0  }
0x57: {  	[sflag:s11] =	ssyncadd.s32 $0xFFFFD880  }
0x58: {  	_ =	sfence.sel $0x180000  }
0x59: {  	[bflag:$0x0] =	sbarrier.arrive $0xFFFF  }
0x5a: {  	p0 =	sne.s32 s1, $0x0;
	_ =	strace $0x9000004A  }
0x5b: {  	s0 =	sadd.s32 @!p0 $0x100000, s0;
	[bflag:$0x2] =	sbarrier.arrive $0xFFFF  }
0x5c: {  	[sflag:s0] =	ssyncadd.tile.s32 @!p0 $0x1;
	_ =	shalt  }
.Lfunc_end2:
_tile_overlayer_lowered:
.L_overlay_start_2:
0x5d: {  	(tag) =	ssettag $0x2  }
0x5e: {  	s0 =	rddreg [dreg:$0x0];
	s2 =	stileid.u32  }
0x5f: {  	s1 =	rddreg [dreg:$0x1];
	p0 =	sne.s32 s2, $0x0  }
0x60: {  	s3 =	rddreg [dreg:$0x2];
	[bflag:$0x3] =	sbarrier.arrive $0xFFFF;
	s2 =	simm.s32 @!p0 $0x1C03  }
0x61: {  	[timem:s3], [sflag:s2] =	dma.local @!p0 [hbm:s0], s1  }
0x62: {  	s0 =	simm.s32 @!p0 $0x3  }
0x63: {  	_ =	swait.ge @!p0 [sflag:s0], s1  }
0x64: {  	s1 =	ssub.s32 @!p0 $0x0, s1;
	[sflag:s0] =	ssyncset.done @!p0 $0x0  }
0x65: {  	[sflag:s0] =	ssyncadd.s32 @!p0 s1  }
0x66: {  	[bflag:$0x3] =	sbarrier.arrive $0xFFFF  }
0x67: {  	_ =	shalt  }

// kernel: kernel.17.cloned.1.call-start
scs
__scs_entry_jumppad:
0x0: {  	(pc) =	sbr.rel $0x88, $3  }
0x1: {  	(tag) =	ssettag $0x0;
	lr =	simm.s32 $0x1  }
0x2: {  	[smem:$0x3F99] =	sst lr;
	_ =	strace $0xD0000000  }
0x3: {  	_ = 	snop  }
0x4: {  	_ = 	snop  }
0x5: {  	_ = 	snop  }
0x6: {  	_ = 	snop  }
0x7: {  	_ = 	snop  }
__scs_overlays_trampoline_lowered:
0x8: {  	[smem:$0x3FA8] =	sst s0  }
0x9: {  	[smem:$0x3FA9] =	sst s1  }
0xa: {  	[smem:$0x3FAA] =	sst s2  }
0xb: {  	[smem:$0x3FAB] =	sst s3  }
0xc: {  	[smem:$0x3FAC] =	sst s4  }
0xd: {  	[smem:$0x3FAD] =	sst s5  }
0xe: {  	[smem:$0x3FAE] =	sst s6  }
0xf: {  	[smem:$0x3FAF] =	sst s7  }
0x10: {  	[smem:$0x3FB0] =	sst s8  }
0x11: {  	[smem:$0x3FB1] =	sst s9;
	s0 =	simm.s32 @!p0 $0x0  }
0x12: {  	s1 =	sld [smem:$0x3F97];
	s0 =	simm.s32 @p0 $0x1  }
0x13: {  	[smem:$0x3FB2] =	sst s0;
	s0 =	simm.s32 @!p1 $0x0  }
0x14: {  	s2 =	sld [smem:$0x3F96];
	s0 =	simm.s32 @p1 $0x1  }
0x15: {  	[smem:$0x3FB3] =	sst s0;
	s0 =	simm.s32 @!p2 $0x0  }
0x16: {  	s3 =	sld [smem:$0x3FDB];
	s0 =	simm.s32 @p2 $0x1  }
0x17: {  	s4 =	simm.s32 $0x1BF5;
	[smem:$0x3FB5] =	sst s0  }
0x18: {  	s0 =	sld [smem:$0x3F98];
	_ =	swait.ge [sflag:s4], $0x0  }
0x19: {  	s7 =	sld [smem:$0x3F99]  }
0x1a: {  	s8 =	sadd.s32 $0xFFFFE003, lr  }
0x1b: {  	s9 =	sadd.s32 $0xFFFFFEF7, lr;
	s5 =	simm.s32 $0xFFFFFFFF;
	p2 =	slt.u32 s8, $0xFFFFF086  }
0x1c: {  	p1 =	slt.u32 s9, $0xF7A;
	s5 =	simm.s32 @!p2 $0x0  }
0x1d: {  	s5 =	simm.s32 @p1 $0x1;
	p0 =	seq.s32 s7, s2  }
0x1e: {  	s7 =	smul.u32 @!p0 $0xF7A, s2;
	p2 =	seq.s32 @!p0 s5, $0x0  }
0x1f: {  	s9 =	smul.u32 $0xF7A, s1;
	s8 =	simm.s32 @!p0 $0x1BF5;
	p2 =	por !p2, p0  }
0x20: {  	[sflag:s8] =	ssyncset.s32 @!p0 $0xFFFFF086;
	s6 =	sadd.s32 @!p0 s3, s7;
	s7 =	simm.s32 @!p0 $0x108  }
0x21: {  	s3 =	sadd.s32 s3, s9;
	s6 =	sadd.s32 @!p0 $0x88, s6;
	s7 =	simm.s32 @p2 $0x1082  }
0x22: {  	[simem:s7], [sflag:s8] =	dma.local @!p0 [hbm:s6], $0xF7A  }
0x23: {  	s9 =	sor.u32 $0xD0000000, s2;
	s6 =	simm.s32 $0x108;
	_ =	swait.ge @!p0 [sflag:s8], $0x0  }
0x24: {  	s3 =	sadd.s32 $0x88, s3;
	s6 =	simm.s32 @!p1 $0x1082;
	[sflag:s4] =	ssyncset.s32 $0xFFFFF086  }
0x25: {  	[simem:s6], [sflag:s4] =	dma.local [hbm:s3], $0xF7A  }
0x26: {  	[smem:$0x3F99] =	sst s1;
	(tag) =	ssettag s2;
	_ =	strace s9  }
0x27: {  	s1 =	sld [smem:$0x3FA9]  }
0x28: {  	s2 =	sld [smem:$0x3FAA]  }
0x29: {  	s4 =	sld [smem:$0x3FAC]  }
0x2a: {  	p0 =	seq.s32 s5, $0x0;
	s5 =	sld [smem:$0x3FAD]  }
0x2b: {  	s6 =	sld [smem:$0x3FAE]  }
0x2c: {  	s7 =	sld [smem:$0x3FAF]  }
0x2d: {  	s3 =	simm.s32 $0x108;
	s8 =	sld [smem:$0x3FB0]  }
0x2e: {  	s3 =	simm.s32 @!p0 $0x1082;
	s9 =	sld [smem:$0x3FB1]  }
0x2f: {  	lr =	sadd.s32 s0, s3;
	s0 =	sld [smem:$0x3FA8]  }
0x30: {  	s3 =	sld [smem:$0x3FAB]  }
0x31: {  	[smem:$0x3FB4] =	sst s10  }
0x32: {  	s10 =	sld [smem:$0x3FB2];
	_ =	sdelay $0x3  }
0x33: {  	p0 =	seq.s32 s10, $0x1;
	s10 =	sld [smem:$0x3FB4];
	_ =	sdelay $0x3  }
0x34: {  	[smem:$0x3FB4] =	sst s10  }
0x35: {  	s10 =	sld [smem:$0x3FB3];
	_ =	sdelay $0x3  }
0x36: {  	p1 =	seq.s32 s10, $0x1;
	s10 =	sld [smem:$0x3FB4];
	_ =	sdelay $0x3  }
0x37: {  	[smem:$0x3FB4] =	sst s10  }
0x38: {  	s10 =	sld [smem:$0x3FB5]  }
0x39: {  	_ = 	snop;
	(pc) =	sbr.ind lr, $3  }
0x3a: {  	_ = 	snop  }
0x3b: {  	_ = 	snop  }
0x3c: {  	p2 =	seq.s32 s10, $0x1;
	s10 =	sld [smem:$0x3FB4]  }
0x3d: {  	_ =	shalt  }
0x3e: {  	_ =	shalt  }
0x3f: {  	_ =	shalt  }
0x40: {  	_ =	shalt  }
0x41: {  	_ =	shalt  }
0x42: {  	_ =	shalt  }
0x43: {  	_ =	shalt  }
0x44: {  	_ =	shalt  }
0x45: {  	_ =	shalt  }
0x46: {  	_ =	shalt  }
0x47: {  	_ =	shalt  }
0x48: {  	_ =	shalt  }
0x49: {  	_ =	shalt  }
0x4a: {  	_ =	shalt  }
0x4b: {  	_ =	shalt  }
0x4c: {  	_ =	shalt  }
0x4d: {  	_ =	shalt  }
0x4e: {  	_ =	shalt  }
0x4f: {  	_ =	shalt  }
0x50: {  	_ =	shalt  }
0x51: {  	_ =	shalt  }
0x52: {  	_ =	shalt  }
0x53: {  	_ =	shalt  }
0x54: {  	_ =	shalt  }
0x55: {  	_ =	shalt  }
0x56: {  	_ =	shalt  }
0x57: {  	_ =	shalt  }
0x58: {  	_ =	shalt  }
0x59: {  	_ =	shalt  }
0x5a: {  	_ =	shalt  }
0x5b: {  	_ =	shalt  }
0x5c: {  	_ =	shalt  }
0x5d: {  	_ =	shalt  }
0x5e: {  	_ =	shalt  }
0x5f: {  	_ =	shalt  }
0x60: {  	_ =	shalt  }
0x61: {  	_ =	shalt  }
0x62: {  	_ =	shalt  }
0x63: {  	_ =	shalt  }
0x64: {  	_ =	shalt  }
0x65: {  	_ =	shalt  }
0x66: {  	_ =	shalt  }
0x67: {  	_ =	shalt  }
0x68: {  	_ =	shalt  }
0x69: {  	_ =	shalt  }
0x6a: {  	_ =	shalt  }
0x6b: {  	_ =	shalt  }
0x6c: {  	_ =	shalt  }
0x6d: {  	_ =	shalt  }
0x6e: {  	_ =	shalt  }
0x6f: {  	_ =	shalt  }
0x70: {  	_ =	shalt  }
0x71: {  	_ =	shalt  }
0x72: {  	_ =	shalt  }
0x73: {  	_ =	shalt  }
0x74: {  	_ =	shalt  }
0x75: {  	_ =	shalt  }
0x76: {  	_ =	shalt  }
0x77: {  	_ =	shalt  }
0x78: {  	_ =	shalt  }
0x79: {  	_ =	shalt  }
0x7a: {  	_ =	shalt  }
0x7b: {  	_ =	shalt  }
0x7c: {  	_ =	shalt  }
0x7d: {  	_ =	shalt  }
0x7e: {  	_ =	shalt  }
0x7f: {  	_ =	shalt  }
0x80: {  	_ =	shalt  }
0x81: {  	_ =	shalt  }
0x82: {  	_ =	shalt  }
0x83: {  	_ =	shalt  }
0x84: {  	_ =	shalt  }
0x85: {  	_ =	shalt  }
0x86: {  	_ =	shalt  }
0x87: {  	_ =	shalt  }
.Lfunc_end0:
.L_simem_size_0:
called_computation.2_lowered:
.L_overlay_start_0:
0x88: {  	s2 =	sld [smem:$0x3FD9]  }
0x89: {  	s3 =	sld [smem:$0x3FFE];
	_ =	sdelay $0x1  }
0x8a: {  	s1 =	srdreg.scid  }
0x8b: {  	s0 =	sand.u32 $0x1, s1  }
0x8c: {  	s16 =	sshll.u32 s0, $0xA;
	s2 =	sadd.s32 s3, s2  }
0x8d: {  	s2 =	sadd.s32 s2, s16  }
0x8e: {  	[smem:$0x3FC0] =	sst s2  }
0x8f: {  	_ = 	snop  }
0x90: {  	(tm) =	ssettm $0x1  }
0x91: {  	s17 =	sld [smem:$0x3FFB];
	_ =	sdelay $0x3  }
0x92: {  	_ =	strace s17  }
0x93: {  	s2 =	sld [smem:$0x3FFC];
	_ =	sdelay $0x3  }
0x94: {  	_ =	strace s2  }
0x95: {  	s2 =	sld [smem:$0x3FFD];
	_ =	sdelay $0x3  }
0x96: {  	_ =	strace s2  }
0x97: {  	_ =	strace $0x8FFFFFFF  }
0x98: {  	s18 =	sld [smem:$0x3FDB];
	_ =	sdelay $0x1  }
0x99: {  	s19 =	simm.s32 $_scs_section_size  }
0x9a: {  	s4 =	simm.s32 $_size__tile_overlayer_lowered;
	s5 =	simm.s32 $_tile_overlayer_lowered  }
0x9b: {  	s22 =	simm.s32 $0x1BFF;
	s21 =	sshll.u32 s5, $0x1;
	s2 =	sadd.s32 s19, s18  }
0x9c: {  	s6 =	simm.s32 $0x0;
	s20 =	sshll.u32 s4, $0x1;
	s4 =	sadd.s32 s21, s2  }
0x9d: {  	[timem:s6], [sflag:s22] =	dma.local [hbm:s4], s20  }
0x9e: {  	_ =	swait.ge [sflag:s22], s20  }
0x9f: {  	s3 =	ssub.s32 $0x0, s20;
	[sflag:s22] =	ssyncset.done $0x0  }
0xa0: {  	[sflag:s22] =	ssyncadd.s32 s3;
	_ =	sdelay $0x1  }
0xa1: {  	s23 =	simm.s32 $0x1B8B  }
0xa2: {  	_ =	swait.ge [sflag:s23], $0x1  }
0xa3: {  	[sflag:s23] =	ssyncset.done $0x0  }
0xa4: {  	s25 =	simm.s32 $0x1B8E;
	s24 =	sld [smem:$0x3FFE];
	[sflag:s23] =	ssyncadd.s32 $0xFFFFFFFF  }
0xa5: {  	s26 =	simm.s32 $execute0_lowered;
	[smem:$0x3FD2] =	sst s25  }
0xa6: {  	s4 =	sshll.u32 s26, $0x1;
	_ =	strace $0x8000004C;
	[dreg:$0x1] =	wrdreg $0xFFFFFFFF  }
0xa7: {  	s28 =	simm.s32 $_size_execute0_lowered;
	s2 =	sadd.s32 s2, s4;
	[dreg:$0x0] =	wrdreg $0x0  }
0xa8: {  	s4 =	sshll.u32 s28, $0x1;
	[dreg:$0x2] =	wrdreg s2  }
0xa9: {  	[dreg:$0x3] =	wrdreg s4  }
0xaa: {  	[dreg:$0x4] =	wrdreg $0xC0  }
0xab: {  	_ =	task [dreg:s6], $0x5FFFF  }
0xac: {  	[dreg:$0x1] =	wrdreg $0xFFFFFFFF  }
0xad: {  	[dreg:$0x0] =	wrdreg $0x60  }
0xae: {  	[dreg:$0x2] =	wrdreg s24  }
0xaf: {  	[dreg:$0x3] =	wrdreg $0x0  }
0xb0: {  	[dreg:$0x4] =	wrdreg $0x9  }
0xb1: {  	_ =	task.clear_ibuf [dreg:s6], $0x5FFFF;
	_ =	strace $0x9000004C  }
0xb2: {  	s29 =	simm.s32 $0x9;
	_ =	strace $0x8000004E  }
0xb3: {  	_ =	swait.ge [sflag:s29], $0x1  }
0xb4: {  	[sflag:s29] =	ssyncadd.s32 $0xFFFFFFFF  }
0xb5: {  	_ =	strace $0x9000004E  }
0xb6: {  	_ =	sfence  }
0xb7: {  	s30 =	sld [smem:$0x0];
	_ =	sdelay $0x2  }
0xb8: {  	s31 =	sshll.u32 s1, $0xD;
	s1 =	sshrl.u32 s1, $0x2  }
0xb9: {  	s3 =	sand.u32 $0x4000, s31;
	s1 =	sadd.s32 s1, s30  }
0xba: {  	s0 =	sor.u32 s3, s0;
	s1 =	sshll.u32 s1, $0x11  }
0xbb: {  	s0 =	sor.u32 s1, s0  }
0xbc: {  	s0 =	sadd.s32 $0x8F2B, s0  }
0xbd: {  	[sflag:s0] =	ssyncadd.remote.s32 $0x1  }
0xbe: {  	_ =	sfence.sel $0xFFFF  }
0xbf: {  	[dreg:$0x0] =	wrdreg $0xFFFFFFFF;
	(pc) =	sbr.abs _section_cstart, $3  }
0xc0: {  	[dreg:$0x1] =	wrdreg $0xFFFFFFFF  }
0xc1: {  	_ =	task.clear_ibuf [dreg:s6], $0x2FFFF;
	_ =	strace $0x9FFFFFFF  }
0xc2: {  	(tm) =	ssettm $0x7FFFFFFF  }
0xc3: {  	_ =	shalt  }
tec
execute0_lowered:
.L_overlay_start_1:
0x0: {  	(tag) =	ssettag $0x1  }
0x1: {  	s1 =	srdreg.scid;
	s5 =	rddreg [dreg:$0x0]  }
0x2: {  	s0 =	stileid.u32;
	s2 =	rddreg [dreg:$0x1];
	s3 =	simm.s32 $0x0  }
0x3: {  	s12 =	simm.s32 $0x15000;
	s15 =	simm.s32 $0x80;
	s16 =	simm.s32 $0x16400  }
0x4: {  	s17 =	simm.s32 $0x13C80;
	s18 =	simm.s32 $0x1A400;
	s19 =	simm.s32 $0x1  }
0x5: {  	s20 =	simm.s32 $0x2;
	s21 =	simm.s32 $0x16300;
	s22 =	simm.s32 $0x16380  }
0x6: {  	s23 =	simm.s32 $0x0;
	s6 =	sand.u32 $0x1, s1;
	s1 =	rddreg [dreg:$0x2]  }
0x7: {  	s30 =	sshll.u32 s0, $0x1;
	[smem:$0x7FF] =	sst s3;
	s8 =	smul.u32 $0x13C00, s0  }
0x8: {  	s31 =	smul.u32 $0x4F000, s0;
	s13 =	sshll.u32 s0, $0x6;
	s4 =	sor.u32 s6, s30  }
0x9: {  	_ =	strace $0x8000004D;
	s9 =	smul.u32 $0x13C000, s6;
	s6 =	ssub.s32 $0x2, s6  }
0xa: {  	s13 =	sor.u32 $0x1C03, s13;
	s7 =	smul.u32 $0x280, s4;
	s4 =	sadd.s32 $0x1A00, s5  }
0xb: {  	s10 =	sshrl.u32 s8, $0x3;
	s11 =	sshrl.u32 s6, $0x1;
	s8 =	sadd.s32 s8, s9  }
0xc: {  	s10 =	sadd.s32 s10, s5;
	s11 =	ssub.s32 s6, s11;
	s9 =	sshrl.u32 s31, $0x2  }
0xd: {  	s7 =	sadd.s32 s7, s5;
	s8 =	sshrl.u32 s8, $0x3;
	s14 =	sadd.s32 s9, s2  }
0xe: {  	s9 =	smax.u32 s11, $0x1;
	s11 =	simm.s32 $0x3;
	s8 =	sadd.s32 s8, s5  }
0xf: {  	s5 =	sadd.s32 $0xC6600, s7;
	s6 =	sadd.s32 $0xCB600, s7;
	s7 =	sadd.s32 $0x28C00, s10  }
0x10: {  	s10 =	simm.s32 $0x13C00;
	s14 =	sshrl.u32 s14, $0x3;
	s8 =	sadd.s32 $0x50400, s8  }
.LBB2_1:
0x11: {  	[tilespmem:s10], [sflag:$0x3] =	stream.linear.gather [hbm4b:s5+s3], $0x1400, $0x38;
	[tilespmem:$0x1E400] =	vst v63  }
0x12: {  	_ =	swait.ge [sflag:s11], $0x1400  }
0x13: {  	[sflag:s11] =	ssyncset.done $0x0  }
0x14: {  	[sflag:s11] =	ssyncadd.s32 $0xFFFFEC00  }
0x15: {  	[tilespmem:s12], [sflag:$0x3] =	stream.linear.gather [hbm4b:s6+s3], $0x1400, $0x38;
	[tilespmem:$0x1E400] =	vst v63  }
0x16: {  	_ =	swait.ge [sflag:s11], $0x1400  }
0x17: {  	[sflag:s11] =	ssyncset.done $0x0  }
0x18: {  	[sflag:s11] =	ssyncadd.s32 $0xFFFFEC00  }
0x19: {  	[spmem:s14], [sflag:s13] =	dma.local [hbm:s7], $0x2780  }
0x1a: {  	_ =	swait.ge [sflag:s11], $0x2780  }
0x1b: {  	[sflag:s11] =	ssyncset.done $0x0  }
0x1c: {  	[sflag:s11] =	ssyncadd.s32 $0xFFFFD880  }
0x1d: {  	[bflag:$0x0] =	sbarrier.arrive $0xFFFF  }
0x1e: {  	[tilespmem:s16], [sflag:$0x1] =	stream.indirect.gather [hbm4b:s4+s15], $0x80, s10, s15, $0xb8;
	[tilespmem:$0x1E400] =	vst v63  }
0x1f: {  	_ = 	snop  }
0x20: {  	[tilespmem:s18], [sflag:$0x2] =	stream.indirect.gather [hbm4b:s4+s15], $0x80, s17, s15, $0xb8;
	[tilespmem:$0x1E400] =	vst v63  }
0x21: {  	_ =	swait.ge [sflag:s19], $0x4000  }
0x22: {  	[sflag:s19] =	ssyncset.done $0x0  }
0x23: {  	s24 =	simm.s32 $0x15000;
	[sflag:s19] =	ssyncadd.s32 $0xFFFFC000  }
0x24: {  	[spmem:s2] =	stream.indirect.scatter.add.f32 [tilespmem:s16], [sflag:$0x3], $0x80, s24, s15, $0xb8;
	[tilespmem:$0x1E400] =	vst v63  }
0x25: {  	_ =	swait.ge [sflag:s11], $0x4000  }
0x26: {  	[sflag:s11] =	ssyncset.done $0x0  }
0x27: {  	s30 =	simm.s32 $0x13D00;
	[sflag:s11] =	ssyncadd.s32 $0xFFFFC000  }
0x28: {  	[tilespmem:s16], [sflag:$0x1] =	stream.indirect.gather [hbm4b:s4+s15], $0x80, s30, s15, $0xb8;
	[tilespmem:$0x1E400] =	vst v63  }
0x29: {  	_ =	swait.ge [sflag:s20], $0x4000  }
0x2a: {  	[sflag:s20] =	ssyncset.done $0x0  }
0x2b: {  	s31 =	simm.s32 $0x15080;
	[sflag:s20] =	ssyncadd.s32 $0xFFFFC000  }
0x2c: {  	[spmem:s2] =	stream.indirect.scatter.add.f32 [tilespmem:s18], [sflag:$0x3], $0x80, s31, s15, $0xb8;
	[tilespmem:$0x1E400] =	vst v63  }
0x2d: {  	_ =	swait.ge [sflag:s11], $0x4000  }
0x2e: {  	[sflag:s11] =	ssyncset.done $0x0  }
0x2f: {  	s25 =	simm.s32 $0x13D80;
	s24 =	simm.s32 $0x400;
	[sflag:s11] =	ssyncadd.s32 $0xFFFFC000  }
.LBB2_2:
0x30: {  	[tilespmem:s18], [sflag:$0x2] =	stream.indirect.gather [hbm4b:s4+s15], $0x80, s25, s15, $0xb8;
	[tilespmem:$0x1E400] =	vst v63  }
0x31: {  	s25 =	smov.u32 s24  }
0x32: {  	p0 =	sne.s32 s24, $0x4800;
	s24 =	sadd.s32 $0x400, s24;
	_ =	swait.ge [sflag:s19], $0x4000  }
0x33: {  	s25 =	sshra.s32 s25, $0x2;
	[sflag:s19] =	ssyncset.done $0x0  }
0x34: {  	s26 =	sadd.s32 $0x15000, s25;
	[sflag:s19] =	ssyncadd.s32 $0xFFFFC000  }
0x35: {  	[spmem:s2] =	stream.indirect.scatter.add.f32 [tilespmem:s16], [sflag:$0x3], $0x80, s26, s15, $0xb8;
	[tilespmem:$0x1E400] =	vst v63  }
0x36: {  	_ =	swait.ge [sflag:s11], $0x4000  }
0x37: {  	[sflag:s11] =	ssyncset.done $0x0  }
0x38: {  	s26 =	sadd.s32 $0x13D00, s25;
	[sflag:s11] =	ssyncadd.s32 $0xFFFFC000  }
0x39: {  	[tilespmem:s16], [sflag:$0x1] =	stream.indirect.gather [hbm4b:s4+s15], $0x80, s26, s15, $0xb8;
	[tilespmem:$0x1E400] =	vst v63  }
0x3a: {  	_ =	swait.ge [sflag:s20], $0x4000  }
0x3b: {  	[sflag:s20] =	ssyncset.done $0x0  }
.Ltmp0:
0x3c: {  	s26 =	sadd.s32 $0x15080, s25;
	[sflag:s20] =	ssyncadd.s32 $0xFFFFC000;
	(pc) =	sbr.rel @p0 .LBB2_2-.Ltmp0, $4  }
0x3d: {  	[spmem:s2] =	stream.indirect.scatter.add.f32 [tilespmem:s18], [sflag:$0x3], $0x80, s26, s15, $0xb8;
	[tilespmem:$0x1E400] =	vst v63  }
0x3e: {  	_ =	swait.ge [sflag:s11], $0x4000  }
0x3f: {  	[sflag:s11] =	ssyncset.done $0x0  }
0x40: {  	s25 =	sadd.s32 $0x13D80, s25;
	[sflag:s11] =	ssyncadd.s32 $0xFFFFC000  }
0x41: {  	[tilespmem:s18], [sflag:$0x2] =	stream.indirect.gather [hbm4b:s4+s15], $0x80, s25, s15, $0xb8;
	[tilespmem:$0x1E400] =	vst v63  }
0x42: {  	_ =	swait.ge [sflag:s19], $0x4000  }
0x43: {  	[sflag:s19] =	ssyncset.done $0x0  }
0x44: {  	[sflag:s19] =	ssyncadd.s32 $0xFFFFC000  }
0x45: {  	[spmem:s2] =	stream.indirect.scatter.add.f32 [tilespmem:s16], [sflag:$0x3], $0x80, s21, s15, $0xb8;
	[tilespmem:$0x1E400] =	vst v63  }
0x46: {  	_ =	swait.ge [sflag:s11], $0x4000  }
0x47: {  	[sflag:s11] =	ssyncset.done $0x0  }
0x48: {  	[sflag:s11] =	ssyncadd.s32 $0xFFFFC000  }
0x49: {  	_ =	swait.ge [sflag:s20], $0x4000  }
0x4a: {  	[sflag:s20] =	ssyncset.done $0x0  }
0x4b: {  	[sflag:s20] =	ssyncadd.s32 $0xFFFFC000  }
0x4c: {  	[spmem:s2] =	stream.indirect.scatter.add.f32 [tilespmem:s18], [sflag:$0x3], $0x80, s22, s15, $0xb8;
	[tilespmem:$0x1E400] =	vst v63  }
0x4d: {  	_ =	swait.ge [sflag:s11], $0x4000  }
0x4e: {  	s23 =	sadd.s32 $0x1, s23;
	[sflag:s11] =	ssyncset.done $0x0  }
0x4f: {  	p0 =	sne.s32 s23, s9;
	[sflag:s11] =	ssyncadd.s32 $0xFFFFC000  }
.Ltmp1:
0x50: {  	[bflag:$0x0] =	sbarrier.arrive $0xFFFF;
	(pc) =	sbr.rel @p0 .LBB2_1-.Ltmp1, $4  }
0x51: {  	[hbm:s8], [sflag:s13] =	dma.local [spmem:s14], $0x2780  }
0x52: {  	_ =	swait.ge [sflag:s11], $0x2780  }
0x53: {  	[sflag:s11] =	ssyncset.done $0x0  }
0x54: {  	[sflag:s11] =	ssyncadd.s32 $0xFFFFD880  }
0x55: {  	_ =	sfence.sel $0x180000  }
0x56: {  	[bflag:$0x0] =	sbarrier.arrive $0xFFFF  }
0x57: {  	p0 =	sne.s32 s0, $0x0;
	_ =	strace $0x9000004D  }
0x58: {  	s0 =	sadd.s32 @!p0 $0x100000, s1;
	[bflag:$0x2] =	sbarrier.arrive $0xFFFF  }
0x59: {  	[sflag:s0] =	ssyncadd.tile.s32 @!p0 $0x1;
	_ =	shalt  }
.Lfunc_end2:
_tile_overlayer_lowered:
.L_overlay_start_2:
0x5a: {  	(tag) =	ssettag $0x2  }
0x5b: {  	s0 =	rddreg [dreg:$0x0];
	s2 =	stileid.u32  }
0x5c: {  	s1 =	rddreg [dreg:$0x1];
	p0 =	sne.s32 s2, $0x0  }
0x5d: {  	s3 =	rddreg [dreg:$0x2];
	[bflag:$0x3] =	sbarrier.arrive $0xFFFF;
	s2 =	simm.s32 @!p0 $0x1C03  }
0x5e: {  	[timem:s3], [sflag:s2] =	dma.local @!p0 [hbm:s0], s1  }
0x5f: {  	s0 =	simm.s32 @!p0 $0x3  }
0x60: {  	_ =	swait.ge @!p0 [sflag:s0], s1  }
0x61: {  	s1 =	ssub.s32 @!p0 $0x0, s1;
	[sflag:s0] =	ssyncset.done @!p0 $0x0  }
0x62: {  	[sflag:s0] =	ssyncadd.s32 @!p0 s1  }
0x63: {  	[bflag:$0x3] =	sbarrier.arrive $0xFFFF  }
0x64: {  	_ =	shalt  }

// kernel: kernel.20.cloned.1.call-start
scs
__scs_entry_jumppad:
0x0: {  	(pc) =	sbr.rel $0x88, $3  }
0x1: {  	(tag) =	ssettag $0x0;
	lr =	simm.s32 $0x1  }
0x2: {  	[smem:$0x3F99] =	sst lr;
	_ =	strace $0xD0000000  }
0x3: {  	_ = 	snop  }
0x4: {  	_ = 	snop  }
0x5: {  	_ = 	snop  }
0x6: {  	_ = 	snop  }
0x7: {  	_ = 	snop  }
__scs_overlays_trampoline_lowered:
0x8: {  	[smem:$0x3FA8] =	sst s0  }
0x9: {  	[smem:$0x3FA9] =	sst s1  }
0xa: {  	[smem:$0x3FAA] =	sst s2  }
0xb: {  	[smem:$0x3FAB] =	sst s3  }
0xc: {  	[smem:$0x3FAC] =	sst s4  }
0xd: {  	[smem:$0x3FAD] =	sst s5  }
0xe: {  	[smem:$0x3FAE] =	sst s6  }
0xf: {  	[smem:$0x3FAF] =	sst s7  }
0x10: {  	[smem:$0x3FB0] =	sst s8  }
0x11: {  	[smem:$0x3FB1] =	sst s9;
	s0 =	simm.s32 @!p0 $0x0  }
0x12: {  	s1 =	sld [smem:$0x3F97];
	s0 =	simm.s32 @p0 $0x1  }
0x13: {  	[smem:$0x3FB2] =	sst s0;
	s0 =	simm.s32 @!p1 $0x0  }
0x14: {  	s2 =	sld [smem:$0x3F96];
	s0 =	simm.s32 @p1 $0x1  }
0x15: {  	[smem:$0x3FB3] =	sst s0;
	s0 =	simm.s32 @!p2 $0x0  }
0x16: {  	s3 =	sld [smem:$0x3FDB];
	s0 =	simm.s32 @p2 $0x1  }
0x17: {  	s4 =	simm.s32 $0x1BF5;
	[smem:$0x3FB5] =	sst s0  }
0x18: {  	s0 =	sld [smem:$0x3F98];
	_ =	swait.ge [sflag:s4], $0x0  }
0x19: {  	s7 =	sld [smem:$0x3F99]  }
0x1a: {  	s8 =	sadd.s32 $0xFFFFE003, lr  }
0x1b: {  	s9 =	sadd.s32 $0xFFFFFEF7, lr;
	s5 =	simm.s32 $0xFFFFFFFF;
	p2 =	slt.u32 s8, $0xFFFFF086  }
0x1c: {  	p1 =	slt.u32 s9, $0xF7A;
	s5 =	simm.s32 @!p2 $0x0  }
0x1d: {  	s5 =	simm.s32 @p1 $0x1;
	p0 =	seq.s32 s7, s2  }
0x1e: {  	s7 =	smul.u32 @!p0 $0xF7A, s2;
	p2 =	seq.s32 @!p0 s5, $0x0  }
0x1f: {  	s9 =	smul.u32 $0xF7A, s1;
	s8 =	simm.s32 @!p0 $0x1BF5;
	p2 =	por !p2, p0  }
0x20: {  	[sflag:s8] =	ssyncset.s32 @!p0 $0xFFFFF086;
	s6 =	sadd.s32 @!p0 s3, s7;
	s7 =	simm.s32 @!p0 $0x108  }
0x21: {  	s3 =	sadd.s32 s3, s9;
	s6 =	sadd.s32 @!p0 $0x88, s6;
	s7 =	simm.s32 @p2 $0x1082  }
0x22: {  	[simem:s7], [sflag:s8] =	dma.local @!p0 [hbm:s6], $0xF7A  }
0x23: {  	s9 =	sor.u32 $0xD0000000, s2;
	s6 =	simm.s32 $0x108;
	_ =	swait.ge @!p0 [sflag:s8], $0x0  }
0x24: {  	s3 =	sadd.s32 $0x88, s3;
	s6 =	simm.s32 @!p1 $0x1082;
	[sflag:s4] =	ssyncset.s32 $0xFFFFF086  }
0x25: {  	[simem:s6], [sflag:s4] =	dma.local [hbm:s3], $0xF7A  }
0x26: {  	[smem:$0x3F99] =	sst s1;
	(tag) =	ssettag s2;
	_ =	strace s9  }
0x27: {  	s1 =	sld [smem:$0x3FA9]  }
0x28: {  	s2 =	sld [smem:$0x3FAA]  }
0x29: {  	s4 =	sld [smem:$0x3FAC]  }
0x2a: {  	p0 =	seq.s32 s5, $0x0;
	s5 =	sld [smem:$0x3FAD]  }
0x2b: {  	s6 =	sld [smem:$0x3FAE]  }
0x2c: {  	s7 =	sld [smem:$0x3FAF]  }
0x2d: {  	s3 =	simm.s32 $0x108;
	s8 =	sld [smem:$0x3FB0]  }
0x2e: {  	s3 =	simm.s32 @!p0 $0x1082;
	s9 =	sld [smem:$0x3FB1]  }
0x2f: {  	lr =	sadd.s32 s0, s3;
	s0 =	sld [smem:$0x3FA8]  }
0x30: {  	s3 =	sld [smem:$0x3FAB]  }
0x31: {  	[smem:$0x3FB4] =	sst s10  }
0x32: {  	s10 =	sld [smem:$0x3FB2];
	_ =	sdelay $0x3  }
0x33: {  	p0 =	seq.s32 s10, $0x1;
	s10 =	sld [smem:$0x3FB4];
	_ =	sdelay $0x3  }
0x34: {  	[smem:$0x3FB4] =	sst s10  }
0x35: {  	s10 =	sld [smem:$0x3FB3];
	_ =	sdelay $0x3  }
0x36: {  	p1 =	seq.s32 s10, $0x1;
	s10 =	sld [smem:$0x3FB4];
	_ =	sdelay $0x3  }
0x37: {  	[smem:$0x3FB4] =	sst s10  }
0x38: {  	s10 =	sld [smem:$0x3FB5]  }
0x39: {  	_ = 	snop;
	(pc) =	sbr.ind lr, $3  }
0x3a: {  	_ = 	snop  }
0x3b: {  	_ = 	snop  }
0x3c: {  	p2 =	seq.s32 s10, $0x1;
	s10 =	sld [smem:$0x3FB4]  }
0x3d: {  	_ =	shalt  }
0x3e: {  	_ =	shalt  }
0x3f: {  	_ =	shalt  }
0x40: {  	_ =	shalt  }
0x41: {  	_ =	shalt  }
0x42: {  	_ =	shalt  }
0x43: {  	_ =	shalt  }
0x44: {  	_ =	shalt  }
0x45: {  	_ =	shalt  }
0x46: {  	_ =	shalt  }
0x47: {  	_ =	shalt  }
0x48: {  	_ =	shalt  }
0x49: {  	_ =	shalt  }
0x4a: {  	_ =	shalt  }
0x4b: {  	_ =	shalt  }
0x4c: {  	_ =	shalt  }
0x4d: {  	_ =	shalt  }
0x4e: {  	_ =	shalt  }
0x4f: {  	_ =	shalt  }
0x50: {  	_ =	shalt  }
0x51: {  	_ =	shalt  }
0x52: {  	_ =	shalt  }
0x53: {  	_ =	shalt  }
0x54: {  	_ =	shalt  }
0x55: {  	_ =	shalt  }
0x56: {  	_ =	shalt  }
0x57: {  	_ =	shalt  }
0x58: {  	_ =	shalt  }
0x59: {  	_ =	shalt  }
0x5a: {  	_ =	shalt  }
0x5b: {  	_ =	shalt  }
0x5c: {  	_ =	shalt  }
0x5d: {  	_ =	shalt  }
0x5e: {  	_ =	shalt  }
0x5f: {  	_ =	shalt  }
0x60: {  	_ =	shalt  }
0x61: {  	_ =	shalt  }
0x62: {  	_ =	shalt  }
0x63: {  	_ =	shalt  }
0x64: {  	_ =	shalt  }
0x65: {  	_ =	shalt  }
0x66: {  	_ =	shalt  }
0x67: {  	_ =	shalt  }
0x68: {  	_ =	shalt  }
0x69: {  	_ =	shalt  }
0x6a: {  	_ =	shalt  }
0x6b: {  	_ =	shalt  }
0x6c: {  	_ =	shalt  }
0x6d: {  	_ =	shalt  }
0x6e: {  	_ =	shalt  }
0x6f: {  	_ =	shalt  }
0x70: {  	_ =	shalt  }
0x71: {  	_ =	shalt  }
0x72: {  	_ =	shalt  }
0x73: {  	_ =	shalt  }
0x74: {  	_ =	shalt  }
0x75: {  	_ =	shalt  }
0x76: {  	_ =	shalt  }
0x77: {  	_ =	shalt  }
0x78: {  	_ =	shalt  }
0x79: {  	_ =	shalt  }
0x7a: {  	_ =	shalt  }
0x7b: {  	_ =	shalt  }
0x7c: {  	_ =	shalt  }
0x7d: {  	_ =	shalt  }
0x7e: {  	_ =	shalt  }
0x7f: {  	_ =	shalt  }
0x80: {  	_ =	shalt  }
0x81: {  	_ =	shalt  }
0x82: {  	_ =	shalt  }
0x83: {  	_ =	shalt  }
0x84: {  	_ =	shalt  }
0x85: {  	_ =	shalt  }
0x86: {  	_ =	shalt  }
0x87: {  	_ =	shalt  }
.Lfunc_end0:
.L_simem_size_0:
called_computation.3_lowered:
.L_overlay_start_0:
0x88: {  	s2 =	sld [smem:$0x3FD9]  }
0x89: {  	s3 =	sld [smem:$0x3FFE];
	_ =	sdelay $0x1  }
0x8a: {  	s1 =	srdreg.scid  }
0x8b: {  	s0 =	sand.u32 $0x1, s1  }
0x8c: {  	s17 =	sshll.u32 s0, $0xA;
	s2 =	sadd.s32 s3, s2  }
0x8d: {  	s2 =	sadd.s32 s2, s17  }
0x8e: {  	[smem:$0x3FC0] =	sst s2  }
0x8f: {  	_ = 	snop  }
0x90: {  	(tm) =	ssettm $0x1  }
0x91: {  	s18 =	sld [smem:$0x3FFB];
	_ =	sdelay $0x3  }
0x92: {  	_ =	strace s18  }
0x93: {  	s2 =	sld [smem:$0x3FFC];
	_ =	sdelay $0x3  }
0x94: {  	_ =	strace s2  }
0x95: {  	s2 =	sld [smem:$0x3FFD];
	_ =	sdelay $0x3  }
0x96: {  	_ =	strace s2  }
0x97: {  	_ =	strace $0x8FFFFFFF  }
0x98: {  	s19 =	sld [smem:$0x3FDB];
	_ =	sdelay $0x1  }
0x99: {  	s20 =	simm.s32 $_scs_section_size  }
0x9a: {  	s4 =	simm.s32 $_size__tile_overlayer_lowered;
	s5 =	simm.s32 $_tile_overlayer_lowered  }
0x9b: {  	s6 =	simm.s32 $0x1BFF;
	s21 =	sshll.u32 s5, $0x1;
	s3 =	sadd.s32 s20, s19  }
0x9c: {  	s22 =	simm.s32 $0x0;
	s4 =	sshll.u32 s4, $0x1;
	s5 =	sadd.s32 s21, s3  }
0x9d: {  	[timem:s22], [sflag:s6] =	dma.local [hbm:s5], s4  }
0x9e: {  	_ =	swait.ge [sflag:s6], s4  }
0x9f: {  	s4 =	ssub.s32 $0x0, s4;
	[sflag:s6] =	ssyncset.done $0x0  }
0xa0: {  	[sflag:s6] =	ssyncadd.s32 s4;
	_ =	sdelay $0x1  }
0xa1: {  	s23 =	simm.s32 $0x1B8B  }
0xa2: {  	_ =	swait.ge [sflag:s23], $0x1  }
0xa3: {  	[sflag:s23] =	ssyncset.done $0x0  }
0xa4: {  	[sflag:s23] =	ssyncadd.s32 $0xFFFFFFFF  }
0xa5: {  	s4 =	sld [smem:$0x0]  }
0xa6: {  	s5 =	sand.u32 $0xFFFFFFFE, s1  }
0xa7: {  	p0 =	sne.s32 s1, s5  }
0xa8: {  	s5 =	sshll.u32 @p0 s5, $0xE  }
0xa9: {  	s5 =	sadd.s32 @p0 $0x11B8D, s5;
	s6 =	sshll.u32 @p0 s4, $0x11  }
0xaa: {  	s5 =	sor.u32 @p0 s6, s5  }
0xab: {  	[sflag:s5] =	ssyncadd.remote.s32 @p0 $0x1;
	_ =	sdelay $0x1  }
0xac: {  	s5 =	simm.s32 @p0 $0x1B8D  }
0xad: {  	_ =	swait.eq @p0 [sflag:s5], $0x1  }
0xae: {  	[sflag:s5] =	ssyncadd.s32 @p0 $0xFFFFFFFF  }
0xaf: {  	s6 =	sshll.u32 @!p0 s1, $0xE  }
0xb0: {  	s6 =	sor.u32 @!p0 $0x4000, s6;
	s5 =	simm.s32 @!p0 $0x1B8D  }
0xb1: {  	s4 =	sshll.u32 @!p0 s4, $0x11;
	s6 =	sadd.s32 @!p0 $0x11B8D, s6;
	_ =	swait.eq @!p0 [sflag:s5], $0x1  }
0xb2: {  	s4 =	sor.u32 @!p0 s4, s6;
	[sflag:s5] =	ssyncadd.s32 @!p0 $0xFFFFFFFF  }
0xb3: {  	s25 =	simm.s32 $0x1B8E;
	s24 =	sld [smem:$0x3FFE];
	[sflag:s4] =	ssyncadd.remote.s32 @!p0 $0x1  }
0xb4: {  	s26 =	simm.s32 $execute0_lowered;
	[smem:$0x3FD2] =	sst s25  }
0xb5: {  	s5 =	sshll.u32 s26, $0x1;
	_ =	strace $0x8000004F;
	[dreg:$0x1] =	wrdreg $0xFFFFFFFF  }
0xb6: {  	s28 =	simm.s32 $_size_execute0_lowered;
	s3 =	sadd.s32 s3, s5;
	[dreg:$0x0] =	wrdreg $0x0  }
0xb7: {  	s5 =	sshll.u32 s28, $0x1;
	[dreg:$0x2] =	wrdreg s3  }
0xb8: {  	[dreg:$0x3] =	wrdreg s5  }
0xb9: {  	[dreg:$0x4] =	wrdreg $0xC0  }
0xba: {  	_ =	task [dreg:s22], $0x5FFFF  }
0xbb: {  	[dreg:$0x1] =	wrdreg $0xFFFFFFFF  }
0xbc: {  	[dreg:$0x0] =	wrdreg $0x60  }
0xbd: {  	[dreg:$0x2] =	wrdreg s24  }
0xbe: {  	[dreg:$0x3] =	wrdreg $0xA  }
0xbf: {  	_ =	task.clear_ibuf [dreg:s22], $0x4FFFF;
	_ =	strace $0x9000004F  }
0xc0: {  	s29 =	simm.s32 $0xA;
	_ =	strace $0x80000051  }
0xc1: {  	_ =	swait.ge [sflag:s29], $0x1  }
0xc2: {  	[sflag:s29] =	ssyncadd.s32 $0xFFFFFFFF  }
0xc3: {  	_ =	strace $0x90000051  }
0xc4: {  	_ =	sfence  }
0xc5: {  	s30 =	sld [smem:$0x0];
	_ =	sdelay $0x2  }
0xc6: {  	s31 =	sshll.u32 s1, $0xD;
	s1 =	sshrl.u32 s1, $0x2  }
0xc7: {  	s4 =	sand.u32 $0x4000, s31;
	s1 =	sadd.s32 s1, s30  }
0xc8: {  	s0 =	sor.u32 s4, s0;
	s1 =	sshll.u32 s1, $0x11  }
0xc9: {  	s0 =	sor.u32 s1, s0  }
0xca: {  	s0 =	sadd.s32 $0x8F2B, s0  }
0xcb: {  	[sflag:s0] =	ssyncadd.remote.s32 $0x1  }
0xcc: {  	_ =	sfence.sel $0xFFFF  }
0xcd: {  	[dreg:$0x0] =	wrdreg $0xFFFFFFFF;
	(pc) =	sbr.abs _section_cstart, $3  }
0xce: {  	[dreg:$0x1] =	wrdreg $0xFFFFFFFF  }
0xcf: {  	_ =	task.clear_ibuf [dreg:s22], $0x2FFFF;
	_ =	strace $0x9FFFFFFF  }
0xd0: {  	(tm) =	ssettm $0x7FFFFFFF  }
0xd1: {  	_ =	shalt  }
tec
execute0_lowered:
.L_overlay_start_1:
0x0: {  	(tag) =	ssettag $0x1  }
0x1: {  	s4 =	rddreg [dreg:$0x0]  }
0x2: {  	s0 =	rddreg [dreg:$0x1];
	s2 =	simm.s32 $0x0;
	s5 =	srdreg.scid  }
0x3: {  	s1 =	stileid.u32;
	s11 =	simm.s32 $0x0;
	[smem:$0x7FF] =	sst s2  }
0x4: {  	s3 =	sadd.s32 $0x1A00, s4;
	s5 =	sand.u32 $0x1, s5;
	s6 =	sshll.u32 s1, $0xA  }
0x5: {  	s8 =	smul.u32 $0x19000, s1;
	_ =	strace $0x80000050;
	s7 =	sshll.u32 s5, $0x9  }
0x6: {  	s9 =	ssub.s32 $0x2, s5;
	s10 =	smul.u32 $0xC800, s5;
	s6 =	sor.u32 s7, s6  }
0x7: {  	s29 =	sshrl.u32 s9, $0x1;
	s31 =	sadd.s32 s8, s4;
	s8 =	simm.s32 $0x80  }
0x8: {  	s30 =	sadd.s32 s6, s4;
	s7 =	ssub.s32 s9, s29;
	s6 =	sadd.s32 s10, s31  }
0x9: {  	s9 =	simm.s32 $0x1000;
	s10 =	simm.s32 $0x5000;
	s4 =	sadd.s32 $0x9F400, s30  }
0xa: {  	s5 =	smax.u32 s7, $0x1;
	s6 =	sadd.s32 $0xD0600, s6;
	s7 =	simm.s32 $0x3  }
.LBB2_1:
0xb: {  	[tilespmem:s2], [sflag:$0x3] =	stream.linear.gather [hbm4b:s4+s2], $0xC80, $0x38;
	[tilespmem:$0x9000] =	vst v63  }
0xc: {  	_ =	swait.ge [sflag:s7], $0xC80  }
0xd: {  	s12 =	sand.u32 $0x1, s2;
	[sflag:s7] =	ssyncset.done $0x0  }
0xe: {  	p0 =	seq.s32 s12, $0x1;
	[sflag:s7] =	ssyncadd.s32 $0xFFFFF380  }
0xf: {  	[tilespmem:s9], [sflag:$0x1] =	stream.indirect.gather [hbm4b:s3+s8], $0x80, s2, s8, $0xb8;
	[tilespmem:$0x9000] =	vst v63  }
0x10: {  	s13 =	simm.s32 @p0 $0x2;
	p0 =	por p0, p0  }
0x11: {  	[tilespmem:s10], [sflag:$0x2] =	stream.indirect.gather [hbm4b:s3+s8], $0x80, s8, s8, $0xb8;
	[tilespmem:$0x9000] =	vst v63  }
0x12: {  	s15 =	simm.s32 $0x100;
	s16 =	simm.s32 $0x2;
	_ =	swait.ge @p0 [sflag:s13], $0x4000  }
0x13: {  	s12 =	simm.s32 $0x1;
	s14 =	simm.s32 @p0 $0x3;
	[sflag:s13] =	ssyncset.done @p0 $0x0  }
0x14: {  	s17 =	simm.s32 @p0 $0x5000;
	[sflag:s13] =	ssyncadd.s32 @p0 $0xFFFFC000;
	s13 =	simm.s32 @p0 $0x0  }
0x15: {  	[hbm4b:s6+s13] =	stream.linear.scatter @p0 [tilespmem:s17], [sflag:$0x3], $0x4000, $0x38;
	[tilespmem:$0x9000] =	vst v63  }
0x16: {  	s31 =	sand.u32 $0x1, s12;
	p1 =	por @p0 $0x0, $0x0;
	_ =	swait.ge @p0 [sflag:s14], $0x4000  }
0x17: {  	s18 =	simm.s32 @!p0 $0x1;
	p1 =	por p1, !p0;
	[sflag:s14] =	ssyncset.done @p0 $0x0  }
0x18: {  	s17 =	simm.s32 @!p1 $0x5000;
	[sflag:s14] =	ssyncadd.s32 @p0 $0xFFFFC000;
	s14 =	simm.s32 @!p1 $0x80  }
0x19: {  	[tilespmem:s17], [sflag:$0x2] =	stream.indirect.gather @!p1 [hbm4b:s3+s14], $0x80, s15, s14, $0xb8;
	[tilespmem:$0x9000] =	vst v63  }
0x1a: {  	s19 =	simm.s32 @!p0 $0x1000;
	p3 =	seq.s32 s31, $0x1;
	_ =	swait.ge @!p0 [sflag:s18], $0x4000  }
0x1b: {  	s13 =	simm.s32 $0x180;
	s17 =	simm.s32 @!p0 $0x3;
	[sflag:s18] =	ssyncset.done @!p0 $0x0  }
0x1c: {  	p1 =	por @!p0 $0x0, $0x0;
	[sflag:s18] =	ssyncadd.s32 @!p0 $0xFFFFC000;
	s18 =	simm.s32 @!p0 $0x0  }
0x1d: {  	[hbm4b:s6+s18] =	stream.linear.scatter @!p0 [tilespmem:s19], [sflag:$0x3], $0x4000, $0x38;
	[tilespmem:$0x9000] =	vst v63  }
0x1e: {  	s14 =	sadd.s32 $0x800, s6;
	p2 =	por p1, p0;
	_ =	swait.ge @!p0 [sflag:s17], $0x4000  }
0x1f: {  	s18 =	simm.s32 @!p2 $0x1000;
	s19 =	simm.s32 @!p2 $0x80;
	[sflag:s17] =	ssyncset.done @!p0 $0x0  }
.LBB2_2:
0x20: {  	s20 =	simm.s32 @p3 $0x2  }
0x21: {  	[sflag:s17] =	ssyncadd.s32 @!p0 $0xFFFFC000;
	s21 =	smov.u32 s12;
	s12 =	smov.u32 s16  }
0x22: {  	s16 =	sadd.s32 $0x1, s16;
	s22 =	smov.u32 s14;
	p0 =	por p3, p3  }
0x23: {  	[tilespmem:s18], [sflag:$0x1] =	stream.indirect.gather @!p2 [hbm4b:s3+s19], $0x80, s15, s19, $0xb8;
	[tilespmem:$0x9000] =	vst v63  }
0x24: {  	p1 =	sne.s32 s16, $0x19;
	s15 =	smov.u32 s13;
	_ =	swait.ge @p0 [sflag:s20], $0x4000  }
0x25: {  	s17 =	simm.s32 @p0 $0x3;
	s13 =	sadd.s32 $0x80, s13;
	[sflag:s20] =	ssyncset.done @p0 $0x0  }
0x26: {  	s18 =	simm.s32 @p0 $0x0;
	s19 =	simm.s32 @p0 $0x5000;
	[sflag:s20] =	ssyncadd.s32 @p0 $0xFFFFC000  }
0x27: {  	[hbm4b:s14+s18] =	stream.linear.scatter @p0 [tilespmem:s19], [sflag:$0x3], $0x4000, $0x38;
	[tilespmem:$0x9000] =	vst v63  }
0x28: {  	p2 =	sgt.u32 @p0 s21, $0x16;
	s14 =	sadd.s32 $0x800, s14;
	_ =	swait.ge @p0 [sflag:s17], $0x4000  }
0x29: {  	p2 =	por p2, !p0;
	s18 =	simm.s32 @!p0 $0x1;
	[sflag:s17] =	ssyncset.done @p0 $0x0  }
0x2a: {  	s19 =	simm.s32 @!p2 $0x5000;
	[sflag:s17] =	ssyncadd.s32 @p0 $0xFFFFC000;
	s17 =	simm.s32 @!p2 $0x80  }
0x2b: {  	[tilespmem:s19], [sflag:$0x2] =	stream.indirect.gather @!p2 [hbm4b:s3+s17], $0x80, s15, s17, $0xb8;
	[tilespmem:$0x9000] =	vst v63  }
0x2c: {  	s19 =	simm.s32 @!p0 $0x1000;
	s17 =	simm.s32 @!p0 $0x3;
	_ =	swait.ge @!p0 [sflag:s18], $0x4000  }
.Ltmp0:
0x2d: {  	p2 =	sgt.u32 @!p0 s21, $0x16;
	[sflag:s18] =	ssyncset.done @!p0 $0x0;
	(pc) =	sbr.rel @p1 .LBB2_2-.Ltmp0, $4  }
0x2e: {  	p2 =	por p2, p0;
	[sflag:s18] =	ssyncadd.s32 @!p0 $0xFFFFC000;
	s18 =	simm.s32 @!p0 $0x0  }
0x2f: {  	[hbm4b:s22+s18] =	stream.linear.scatter @!p0 [tilespmem:s19], [sflag:$0x3], $0x4000, $0x38;
	[tilespmem:$0x9000] =	vst v63  }
0x30: {  	s19 =	sand.u32 $0x1, s12;
	s18 =	simm.s32 @!p2 $0x1000;
	_ =	swait.ge @!p0 [sflag:s17], $0x4000  }
0x31: {  	p3 =	seq.s32 s19, $0x1;
	s19 =	simm.s32 @!p2 $0x80;
	[sflag:s17] =	ssyncset.done @!p0 $0x0  }
0x32: {  	s16 =	simm.s32 @p3 $0x2;
	[sflag:s17] =	ssyncadd.s32 @!p0 $0xFFFFC000;
	p0 =	por p3, p3  }
0x33: {  	[tilespmem:s18], [sflag:$0x1] =	stream.indirect.gather @!p2 [hbm4b:s3+s19], $0x80, s15, s19, $0xb8;
	[tilespmem:$0x9000] =	vst v63  }
0x34: {  	_ =	swait.ge @p0 [sflag:s16], $0x4000  }
0x35: {  	s15 =	simm.s32 @p0 $0x3;
	[sflag:s16] =	ssyncset.done @p0 $0x0  }
0x36: {  	s17 =	simm.s32 @p0 $0x5000;
	[sflag:s16] =	ssyncadd.s32 @p0 $0xFFFFC000;
	s16 =	simm.s32 @p0 $0x0  }
0x37: {  	[hbm4b:s14+s16] =	stream.linear.scatter @p0 [tilespmem:s17], [sflag:$0x3], $0x4000, $0x38;
	[tilespmem:$0x9000] =	vst v63  }
0x38: {  	p1 =	sgt.u32 @p0 s12, $0x16;
	_ =	swait.ge @p0 [sflag:s15], $0x4000  }
0x39: {  	p1 =	por p1, !p0;
	s16 =	simm.s32 @!p0 $0x1;
	[sflag:s15] =	ssyncset.done @p0 $0x0  }
0x3a: {  	s17 =	simm.s32 @!p1 $0x5000;
	[sflag:s15] =	ssyncadd.s32 @p0 $0xFFFFC000;
	s15 =	simm.s32 @!p1 $0x80  }
0x3b: {  	[tilespmem:s17], [sflag:$0x2] =	stream.indirect.gather @!p1 [hbm4b:s3+s15], $0x80, s13, s15, $0xb8;
	[tilespmem:$0x9000] =	vst v63  }
0x3c: {  	_ =	swait.ge @!p0 [sflag:s16], $0x4000  }
0x3d: {  	s15 =	simm.s32 @!p0 $0x1000;
	[sflag:s16] =	ssyncset.done @!p0 $0x0  }
0x3e: {  	s17 =	simm.s32 @!p0 $0x3;
	[sflag:s16] =	ssyncadd.s32 @!p0 $0xFFFFC000;
	s16 =	simm.s32 @!p0 $0x0  }
0x3f: {  	[hbm4b:s14+s16] =	stream.linear.scatter @!p0 [tilespmem:s15], [sflag:$0x3], $0x4000, $0x38;
	[tilespmem:$0x9000] =	vst v63  }
0x40: {  	_ =	swait.ge @!p0 [sflag:s17], $0x4000  }
0x41: {  	s11 =	sadd.s32 $0x1, s11;
	p1 =	sgt.u32 @!p0 s12, $0x16;
	[sflag:s17] =	ssyncset.done @!p0 $0x0  }
0x42: {  	p1 =	por p1, p0;
	[sflag:s17] =	ssyncadd.s32 @!p0 $0xFFFFC000;
	p0 =	sne.s32 s11, s5  }
.Ltmp1:
0x43: {  	_ = 	snop;
	(pc) =	sbr.rel @p0 .LBB2_1-.Ltmp1, $3  }
0x44: {  	_ =	sdelay $0x1  }
0x45: {  	s12 =	simm.s32 @!p1 $0x1000;
	s14 =	simm.s32 @!p1 $0x80  }
0x46: {  	[tilespmem:s12], [sflag:$0x1] =	stream.indirect.gather @!p1 [hbm4b:s3+s14], $0x80, s13, s14, $0xb8;
	[tilespmem:$0x9000] =	vst v63  }
0x47: {  	_ =	sfence.sel $0x180000  }
0x48: {  	[bflag:$0x0] =	sbarrier.arrive $0xFFFF  }
0x49: {  	p0 =	sne.s32 s1, $0x0;
	_ =	strace $0x90000050  }
0x4a: {  	s0 =	sadd.s32 @!p0 $0x100000, s0;
	[bflag:$0x2] =	sbarrier.arrive $0xFFFF  }
0x4b: {  	[sflag:s0] =	ssyncadd.tile.s32 @!p0 $0x1;
	_ =	shalt  }
.Lfunc_end2:
_tile_overlayer_lowered:
.L_overlay_start_2:
0x4c: {  	(tag) =	ssettag $0x2  }
0x4d: {  	s0 =	rddreg [dreg:$0x0];
	s2 =	stileid.u32  }
0x4e: {  	s1 =	rddreg [dreg:$0x1];
	p0 =	sne.s32 s2, $0x0  }
0x4f: {  	s3 =	rddreg [dreg:$0x2];
	[bflag:$0x3] =	sbarrier.arrive $0xFFFF;
	s2 =	simm.s32 @!p0 $0x1C03  }
0x50: {  	[timem:s3], [sflag:s2] =	dma.local @!p0 [hbm:s0], s1  }
0x51: {  	s0 =	simm.s32 @!p0 $0x3  }
0x52: {  	_ =	swait.ge @!p0 [sflag:s0], s1  }
0x53: {  	s1 =	ssub.s32 @!p0 $0x0, s1;
	[sflag:s0] =	ssyncset.done @!p0 $0x0  }
0x54: {  	[sflag:s0] =	ssyncadd.s32 @!p0 s1  }
0x55: {  	[bflag:$0x3] =	sbarrier.arrive $0xFFFF  }
0x56: {  	_ =	shalt  }

</sc_bundles>
